<compile_context>
chip_gen: v7x
topology: tpu7x:2x2x1
jax: 0.10.2.dev20260603
libtpu: 0.0.44.dev20260713+nightly
codegen_flags: <defaults>
</compile_context>

<pallas_src>
import jax
import jax.numpy as jnp
import numpy as np
from jax import lax
from jax.experimental import pallas as pl
from jax.experimental.pallas import tpu as pltpu
from jax.experimental.pallas import tpu_sc as plsc

_B = 128
_D = 2048
_A = 1000
_NS = 8
_KBLK = 2 * _D // _NS
_NA = 8
_ABLK = _A // _NA
_LN2 = 0.6931471805599453
_SQRT2 = 1.4142135623730951


def _threefry2x32_np(k0, k1, x0, x1):
    ks0 = np.uint32(k0)
    ks1 = np.uint32(k1)
    ks2 = np.uint32(ks0 ^ ks1 ^ np.uint32(0x1BD11BDA))
    ks = [ks0, ks1, ks2]
    rot = [[13, 15, 26, 6], [17, 29, 16, 24]]
    x0 = x0 + ks0
    x1 = x1 + ks1
    for r in range(5):
        for ri in rot[r % 2]:
            x0 = x0 + x1
            x1 = (x1 << np.uint32(ri)) | (x1 >> np.uint32(32 - ri))
            x1 = x1 ^ x0
        x0 = x0 + ks[(r + 1) % 3]
        x1 = x1 + ks[(r + 2) % 3] + np.uint32(r + 1)
    return x0, x1


def _gumbel_const(shape, seed):
    n = int(np.prod(shape))
    idx = np.arange(n, dtype=np.uint64)
    c_hi = (idx >> np.uint64(32)).astype(np.uint32)
    c_lo = (idx & np.uint64(0xFFFFFFFF)).astype(np.uint32)
    k0 = np.uint32(seed >> 32)
    k1 = np.uint32(seed & 0xFFFFFFFF)
    with np.errstate(over="ignore"):
        r0, r1 = _threefry2x32_np(k0, k1, c_hi, c_lo)
    bits = r0 ^ r1
    fb = (bits >> np.uint32(9)) | np.uint32(0x3F800000)
    u = fb.view(np.float32) - np.float32(1.0)
    tiny = np.float32(np.finfo(np.float32).tiny)
    u = u * (np.float32(1.0) - tiny) + tiny
    u = np.maximum(tiny, u)
    return (-np.log(-np.log(u))).astype(np.float32).reshape(shape)


_G = _gumbel_const((_B, _A), 42)



def _tc_body(x_ref, b_ref, g_ref, w_hbm, stats_ref, wbuf, sems):
    cps = []
    for i in range(_NS):
        cp = pltpu.make_async_copy(
            w_hbm.at[pl.ds(i * _KBLK, _KBLK), :], wbuf.at[i], sems.at[i])
        cp.start()
        cps.append(cp)

    y = None
    for i in range(_NS):
        cps[i].wait()
        xc0 = (i * _KBLK) % _D
        part = jnp.dot(x_ref[:, xc0:xc0 + _KBLK], wbuf[i],
                       preferred_element_type=jnp.float32)
        y = part if y is None else y + part

    y = y + b_ref[...]
    z = y + g_ref[...]
    for c in range(_NA):
        yc = y[:, c * _ABLK:(c + 1) * _ABLK]
        zc = z[:, c * _ABLK:(c + 1) * _ABLK]
        m = jnp.max(yc, axis=1, keepdims=True)
        e = jnp.exp(yc - m)
        s = jnp.sum(e, axis=1, keepdims=True)
        t = jnp.sum(yc * e, axis=1, keepdims=True)
        bv = jnp.max(zc, axis=1, keepdims=True)
        cols = c * _ABLK + jax.lax.broadcasted_iota(
            jnp.int32, (_B, _ABLK), 1)
        bi = jnp.min(jnp.where(zc == bv, cols, jnp.int32(2**30)),
                     axis=1, keepdims=True)
        ya = jnp.sum(jnp.where(cols == bi, yc, 0.0), axis=1, keepdims=True)
        stats_ref[c, 0, :] = m[:, 0]
        stats_ref[c, 1, :] = s[:, 0]
        stats_ref[c, 2, :] = t[:, 0]
        stats_ref[c, 3, :] = bv[:, 0]
        stats_ref[c, 4, :] = ya[:, 0]
        stats_ref[c, 5, :] = bi[:, 0].astype(jnp.float32)


def _tc_stats(x, W, b2, g):
    return pl.pallas_call(
        _tc_body,
        in_specs=[
            pl.BlockSpec(memory_space=pltpu.MemorySpace.VMEM),
            pl.BlockSpec(memory_space=pltpu.MemorySpace.VMEM),
            pl.BlockSpec(memory_space=pltpu.MemorySpace.VMEM),
            pl.BlockSpec(memory_space=pl.ANY),
        ],
        out_specs=pl.BlockSpec(memory_space=pltpu.MemorySpace.VMEM),
        out_shape=jax.ShapeDtypeStruct((_NA, 8, _B), jnp.float32),
        scratch_shapes=[
            pltpu.VMEM((_NS, _KBLK, _A), jnp.float32),
            pltpu.SemaphoreType.DMA((_NS,)),
        ],
        compiler_params=pltpu.CompilerParams(
            vmem_limit_bytes=100 * 1024 * 1024,
        ),
    )(x, b2, g, W)



def _sc_ln(v):
    bits = plsc.bitcast(v, jnp.int32)
    e = (bits >> 23) - 127
    mbits = (bits & jnp.int32(0x7FFFFF)) | jnp.int32(0x3F800000)
    m = plsc.bitcast(mbits, jnp.float32)
    big = m > _SQRT2
    m = jnp.where(big, m * 0.5, m)
    e = jnp.where(big, e + 1, e)
    ef = e.astype(jnp.float32)
    r = (m - 1.0) / (m + 1.0)
    r2 = r * r
    at = r * (1.0 + r2 * (1.0 / 3.0 + r2 * (0.2 + r2 * (1.0 / 7.0))))
    return ef * _LN2 + 2.0 * at


def _sc_merge(stats_hbm, act_hbm, nlp_hbm, ent_hbm,
              vin, vact, vnlp, vent):
    nc = 2
    wid = lax.axis_index("s") * nc + lax.axis_index("c")
    nrow_w = 16
    nw = _B // nrow_w

    @pl.when(wid < nw)
    def _work():
        base = wid * nrow_w
        pltpu.sync_copy(stats_hbm, vin)
        sl = pl.ds(base, nrow_w)

        m = vin[0, 0, sl]
        s = vin[0, 1, sl]
        t = vin[0, 2, sl]
        bv = vin[0, 3, sl]
        ya = vin[0, 4, sl]
        bi = vin[0, 5, sl]
        for c in range(1, _NA):
            mc = vin[c, 0, sl]
            sc = vin[c, 1, sl]
            tc = vin[c, 2, sl]
            bvc = vin[c, 3, sl]
            yac = vin[c, 4, sl]
            bic = vin[c, 5, sl]
            mn = jnp.maximum(m, mc)
            a0 = jnp.exp(m - mn)
            a1 = jnp.exp(mc - mn)
            s = s * a0 + sc * a1
            t = t * a0 + tc * a1
            m = mn
            upd = bvc > bv
            bv = jnp.where(upd, bvc, bv)
            bi = jnp.where(upd, bic, bi)
            ya = jnp.where(upd, yac, ya)
        logz = m + _sc_ln(s)
        vact[...] = bi.astype(jnp.int32)
        vnlp[...] = logz - ya
        vent[...] = logz - t / s
        pltpu.sync_copy(vact, act_hbm.at[pl.ds(base, nrow_w)])
        pltpu.sync_copy(vnlp, nlp_hbm.at[pl.ds(base, nrow_w)])
        pltpu.sync_copy(vent, ent_hbm.at[pl.ds(base, nrow_w)])


def _sc_finalize(stats):
    mesh = plsc.VectorSubcoreMesh(core_axis_name="c", subcore_axis_name="s")
    fn = pl.kernel(
        _sc_merge,
        mesh=mesh,
        out_type=[
            jax.ShapeDtypeStruct((_B,), jnp.int32),
            jax.ShapeDtypeStruct((_B,), jnp.float32),
            jax.ShapeDtypeStruct((_B,), jnp.float32),
        ],
        scratch_types=[
            pltpu.VMEM((_NA, 8, _B), jnp.float32),
            pltpu.VMEM((16,), jnp.int32),
            pltpu.VMEM((16,), jnp.float32),
            pltpu.VMEM((16,), jnp.float32),
        ],
        compiler_params=pltpu.CompilerParams(needs_layout_passes=False),
    )
    return fn(stats)


def kernel(x, W, b):
    g = jnp.asarray(_G)
    b2 = b.reshape(1, _A)
    stats = _tc_stats(x, W, b2, g)
    act, nlp, ent = _sc_finalize(stats)
    return (act, nlp, ent)

# --- scband reference (transcript-rebuilt; emitter-appended) ---
"""Pipeline reference for scband-softmax-agent-20186346291937 (READ-ONLY COPY).

The authoritative reference and input builder live on the scoring server;
editing this copy changes nothing except your own understanding.
"""

import jax, jax.numpy as jnp
import numpy as np

B = 128
D = 2048
A = 1000

def setup_inputs(seed: int = 0) -> dict:
    key = jax.random.key(seed)
    k1, k2 = jax.random.split(key)
    x = jax.random.normal(k1, (B, D), dtype=jnp.float32)
    # model = Linear(2*D, A): forward concatenates x with p_state (== x on first call)
    W = jax.random.normal(k2, (2 * D, A), dtype=jnp.float32) * 0.02
    b = jnp.zeros((A,), dtype=jnp.float32)
    return {"x": x, "W": W, "b": b}

def reference(x, W, b):
    # p_state is initially int 0, so type(self.p_state) != torch.tensor -> cat(x, x)
    xc = jnp.concatenate((x, x), axis=1)          # [B, 2D]
    y = xc @ W + b                                 # model(x) -> [B, A]
    logp = jax.nn.log_softmax(y, axis=1)           # Softmax(dim=1) in log-space
    probs = jnp.exp(logp)
    # Categorical sample per row (torch dist.sample()); fixed key for determinism
    actions = jax.random.categorical(jax.random.key(42), y, axis=1)   # [B]
    # logit = -dist.log_prob(action)
    neg_logp = -jnp.take_along_axis(logp, actions[:, None], axis=1)[:, 0]  # [B]
    # dist.entropy()
    entropy = -jnp.sum(probs * logp, axis=1)       # [B]
    return (actions, neg_logp, entropy)

if __name__ == "__main__":
    import jax
    _d = setup_inputs()
    print(jax.jit(kernel)(*tuple(_d.values())))

</pallas_src>

<mosaic_0001>
#map = affine_map<(d0, d1) -> (0, 0, 0)>
#map1 = affine_map<(d0, d1) -> (0)>
module attributes {stable_mosaic.version = 14 : i64} {
  func.func @_sc_merge(%arg0: i32, %arg1: i32, %arg2: memref<8x8x128xf32, #tpu.memory_space<hbm>>, %arg3: memref<128xi32, #tpu.memory_space<hbm>>, %arg4: memref<128xf32, #tpu.memory_space<hbm>>, %arg5: memref<128xf32, #tpu.memory_space<hbm>>, %arg6: memref<8x8x128xf32, #tpu.memory_space<vmem>>, %arg7: memref<16xi32, #tpu.memory_space<vmem>>, %arg8: memref<16xf32, #tpu.memory_space<vmem>>, %arg9: memref<16xf32, #tpu.memory_space<vmem>>) attributes {dimension_semantics = [#tpu.dimension_semantics<core_parallel>, #tpu.dimension_semantics<subcore_parallel>], iteration_bounds = array<i64: 2, 16>, scalar_prefetch = 0 : i64, scratch_operands = 4 : i64, tpu.core_type = #tpu.core_type<sc_vector_subcore>, window_params = [{transform_indices = #map}, {transform_indices = #map1}, {transform_indices = #map1}, {transform_indices = #map1}]} {
    %mul3A = arith.constant 2 : i32
    %mul3A_0 = arith.muli %arg1, %mul3A : i32
    %add3A = arith.addi %mul3A_0, %arg0 : i32
    %lt3A = arith.constant 8 : i32
    %lt3A_1 = arith.cmpi slt, %add3A, %lt3A : i32
    %convert_element_type3A = arith.extui %lt3A_1 : i1 to i32
    %cond3A = arith.constant 0 : i32
    %cond3A_2 = arith.cmpi ne, %convert_element_type3A, %cond3A : i32
    scf.if %cond3A_2 {
      %mul3A_3 = arith.constant 16 : i32
      %mul3A_4 = arith.muli %add3A, %mul3A_3 : i32
      "tpu.region"() ({
        %run_scoped3A = tpu.sem_alloc : memref<!tpu.dma_semaphore, #tpu.memory_space<semaphore_mem>>
        tpu.enqueue_dma source(%arg2 : memref<8x8x128xf32, #tpu.memory_space<hbm>>) target(%arg6 : memref<8x8x128xf32, #tpu.memory_space<vmem>>) target_semaphore(%run_scoped3A : memref<!tpu.dma_semaphore, #tpu.memory_space<semaphore_mem>>)
        tpu.wait_dma2 semaphore(%run_scoped3A : memref<!tpu.dma_semaphore, #tpu.memory_space<semaphore_mem>>) src(%arg2 : memref<8x8x128xf32, #tpu.memory_space<hbm>>) dst(%arg6 : memref<8x8x128xf32, #tpu.memory_space<vmem>>)
        tpu.yield
      }) : () -> ()
      %get3A = arith.constant 0 : i32
      %get3A_5 = arith.constant 0 : i32
      %get3A_6 = arith.index_cast %get3A : i32 to index
      %get3A_7 = arith.index_cast %get3A_5 : i32 to index
      %get3A_8 = arith.index_cast %mul3A_4 : i32 to index
      %get3A_9 = tpu.vector_load %arg6[%get3A_6, %get3A_7, %get3A_8] {strides = array<i32>} : memref<8x8x128xf32, #tpu.memory_space<vmem>>, vector<16xf32>,
      %get3A_10 = arith.constant 0 : i32
      %get3A_11 = arith.constant 1 : i32
      %get3A_12 = arith.index_cast %get3A_10 : i32 to index
      %get3A_13 = arith.index_cast %get3A_11 : i32 to index
      %get3A_14 = arith.index_cast %mul3A_4 : i32 to index
      %get3A_15 = tpu.vector_load %arg6[%get3A_12, %get3A_13, %get3A_14] {strides = array<i32>} : memref<8x8x128xf32, #tpu.memory_space<vmem>>, vector<16xf32>,
      %get3A_16 = arith.constant 0 : i32
      %get3A_17 = arith.constant 2 : i32
      %get3A_18 = arith.index_cast %get3A_16 : i32 to index
      %get3A_19 = arith.index_cast %get3A_17 : i32 to index
      %get3A_20 = arith.index_cast %mul3A_4 : i32 to index
      %get3A_21 = tpu.vector_load %arg6[%get3A_18, %get3A_19, %get3A_20] {strides = array<i32>} : memref<8x8x128xf32, #tpu.memory_space<vmem>>, vector<16xf32>,
      %get3A_22 = arith.constant 0 : i32
      %get3A_23 = arith.constant 3 : i32
      %get3A_24 = arith.index_cast %get3A_22 : i32 to index
      %get3A_25 = arith.index_cast %get3A_23 : i32 to index
      %get3A_26 = arith.index_cast %mul3A_4 : i32 to index
      %get3A_27 = tpu.vector_load %arg6[%get3A_24, %get3A_25, %get3A_26] {strides = array<i32>} : memref<8x8x128xf32, #tpu.memory_space<vmem>>, vector<16xf32>,
      %get3A_28 = arith.constant 0 : i32
      %get3A_29 = arith.constant 4 : i32
      %get3A_30 = arith.index_cast %get3A_28 : i32 to index
      %get3A_31 = arith.index_cast %get3A_29 : i32 to index
      %get3A_32 = arith.index_cast %mul3A_4 : i32 to index
      %get3A_33 = tpu.vector_load %arg6[%get3A_30, %get3A_31, %get3A_32] {strides = array<i32>} : memref<8x8x128xf32, #tpu.memory_space<vmem>>, vector<16xf32>,
      %get3A_34 = arith.constant 0 : i32
      %get3A_35 = arith.constant 5 : i32
      %get3A_36 = arith.index_cast %get3A_34 : i32 to index
      %get3A_37 = arith.index_cast %get3A_35 : i32 to index
      %get3A_38 = arith.index_cast %mul3A_4 : i32 to index
      %get3A_39 = tpu.vector_load %arg6[%get3A_36, %get3A_37, %get3A_38] {strides = array<i32>} : memref<8x8x128xf32, #tpu.memory_space<vmem>>, vector<16xf32>,
      %get3A_40 = arith.constant 1 : i32
      %get3A_41 = arith.constant 0 : i32
      %get3A_42 = arith.index_cast %get3A_40 : i32 to index
      %get3A_43 = arith.index_cast %get3A_41 : i32 to index
      %get3A_44 = arith.index_cast %mul3A_4 : i32 to index
      %get3A_45 = tpu.vector_load %arg6[%get3A_42, %get3A_43, %get3A_44] {strides = array<i32>} : memref<8x8x128xf32, #tpu.memory_space<vmem>>, vector<16xf32>,
      %get3A_46 = arith.constant 1 : i32
      %get3A_47 = arith.constant 1 : i32
      %get3A_48 = arith.index_cast %get3A_46 : i32 to index
      %get3A_49 = arith.index_cast %get3A_47 : i32 to index
      %get3A_50 = arith.index_cast %mul3A_4 : i32 to index
      %get3A_51 = tpu.vector_load %arg6[%get3A_48, %get3A_49, %get3A_50] {strides = array<i32>} : memref<8x8x128xf32, #tpu.memory_space<vmem>>, vector<16xf32>,
      %get3A_52 = arith.constant 1 : i32
      %get3A_53 = arith.constant 2 : i32
      %get3A_54 = arith.index_cast %get3A_52 : i32 to index
      %get3A_55 = arith.index_cast %get3A_53 : i32 to index
      %get3A_56 = arith.index_cast %mul3A_4 : i32 to index
      %get3A_57 = tpu.vector_load %arg6[%get3A_54, %get3A_55, %get3A_56] {strides = array<i32>} : memref<8x8x128xf32, #tpu.memory_space<vmem>>, vector<16xf32>,
      %get3A_58 = arith.constant 1 : i32
      %get3A_59 = arith.constant 3 : i32
      %get3A_60 = arith.index_cast %get3A_58 : i32 to index
      %get3A_61 = arith.index_cast %get3A_59 : i32 to index
      %get3A_62 = arith.index_cast %mul3A_4 : i32 to index
      %get3A_63 = tpu.vector_load %arg6[%get3A_60, %get3A_61, %get3A_62] {strides = array<i32>} : memref<8x8x128xf32, #tpu.memory_space<vmem>>, vector<16xf32>,
      %get3A_64 = arith.constant 1 : i32
      %get3A_65 = arith.constant 4 : i32
      %get3A_66 = arith.index_cast %get3A_64 : i32 to index
      %get3A_67 = arith.index_cast %get3A_65 : i32 to index
      %get3A_68 = arith.index_cast %mul3A_4 : i32 to index
      %get3A_69 = tpu.vector_load %arg6[%get3A_66, %get3A_67, %get3A_68] {strides = array<i32>} : memref<8x8x128xf32, #tpu.memory_space<vmem>>, vector<16xf32>,
      %get3A_70 = arith.constant 1 : i32
      %get3A_71 = arith.constant 5 : i32
      %get3A_72 = arith.index_cast %get3A_70 : i32 to index
      %get3A_73 = arith.index_cast %get3A_71 : i32 to index
      %get3A_74 = arith.index_cast %mul3A_4 : i32 to index
      %get3A_75 = tpu.vector_load %arg6[%get3A_72, %get3A_73, %get3A_74] {strides = array<i32>} : memref<8x8x128xf32, #tpu.memory_space<vmem>>, vector<16xf32>,
      %max3A = arith.maximumf %get3A_9, %get3A_45 : vector<16xf32>
      %sub3A = arith.subf %get3A_9, %max3A : vector<16xf32>
      %exp3A = math.exp %sub3A : vector<16xf32>
      %sub3A_76 = arith.subf %get3A_45, %max3A : vector<16xf32>
      %exp3A_77 = math.exp %sub3A_76 : vector<16xf32>
      %mul3A_78 = arith.mulf %get3A_15, %exp3A : vector<16xf32>
      %mul3A_79 = arith.mulf %get3A_51, %exp3A_77 : vector<16xf32>
      %add3A_80 = arith.addf %mul3A_78, %mul3A_79 : vector<16xf32>
      %mul3A_81 = arith.mulf %get3A_21, %exp3A : vector<16xf32>
      %mul3A_82 = arith.mulf %get3A_57, %exp3A_77 : vector<16xf32>
      %add3A_83 = arith.addf %mul3A_81, %mul3A_82 : vector<16xf32>
      %gt3A = arith.cmpf ogt, %get3A_63, %get3A_27 : vector<16xf32>
      %select_n3A = arith.select %gt3A, %get3A_63, %get3A_27 : vector<16xi1>, vector<16xf32>
      %select_n3A_84 = arith.select %gt3A, %get3A_75, %get3A_39 : vector<16xi1>, vector<16xf32>
      %select_n3A_85 = arith.select %gt3A, %get3A_69, %get3A_33 : vector<16xi1>, vector<16xf32>
      %get3A_86 = arith.constant 2 : i32
      %get3A_87 = arith.constant 0 : i32
      %get3A_88 = arith.index_cast %get3A_86 : i32 to index
      %get3A_89 = arith.index_cast %get3A_87 : i32 to index
      %get3A_90 = arith.index_cast %mul3A_4 : i32 to index
      %get3A_91 = tpu.vector_load %arg6[%get3A_88, %get3A_89, %get3A_90] {strides = array<i32>} : memref<8x8x128xf32, #tpu.memory_space<vmem>>, vector<16xf32>,
      %get3A_92 = arith.constant 2 : i32
      %get3A_93 = arith.constant 1 : i32
      %get3A_94 = arith.index_cast %get3A_92 : i32 to index
      %get3A_95 = arith.index_cast %get3A_93 : i32 to index
      %get3A_96 = arith.index_cast %mul3A_4 : i32 to index
      %get3A_97 = tpu.vector_load %arg6[%get3A_94, %get3A_95, %get3A_96] {strides = array<i32>} : memref<8x8x128xf32, #tpu.memory_space<vmem>>, vector<16xf32>,
      %get3A_98 = arith.constant 2 : i32
      %get3A_99 = arith.constant 2 : i32
      %get3A_100 = arith.index_cast %get3A_98 : i32 to index
      %get3A_101 = arith.index_cast %get3A_99 : i32 to index
      %get3A_102 = arith.index_cast %mul3A_4 : i32 to index
      %get3A_103 = tpu.vector_load %arg6[%get3A_100, %get3A_101, %get3A_102] {strides = array<i32>} : memref<8x8x128xf32, #tpu.memory_space<vmem>>, vector<16xf32>,
      %get3A_104 = arith.constant 2 : i32
      %get3A_105 = arith.constant 3 : i32
      %get3A_106 = arith.index_cast %get3A_104 : i32 to index
      %get3A_107 = arith.index_cast %get3A_105 : i32 to index
      %get3A_108 = arith.index_cast %mul3A_4 : i32 to index
      %get3A_109 = tpu.vector_load %arg6[%get3A_106, %get3A_107, %get3A_108] {strides = array<i32>} : memref<8x8x128xf32, #tpu.memory_space<vmem>>, vector<16xf32>,
      %get3A_110 = arith.constant 2 : i32
      %get3A_111 = arith.constant 4 : i32
      %get3A_112 = arith.index_cast %get3A_110 : i32 to index
      %get3A_113 = arith.index_cast %get3A_111 : i32 to index
      %get3A_114 = arith.index_cast %mul3A_4 : i32 to index
      %get3A_115 = tpu.vector_load %arg6[%get3A_112, %get3A_113, %get3A_114] {strides = array<i32>} : memref<8x8x128xf32, #tpu.memory_space<vmem>>, vector<16xf32>,
      %get3A_116 = arith.constant 2 : i32
      %get3A_117 = arith.constant 5 : i32
      %get3A_118 = arith.index_cast %get3A_116 : i32 to index
      %get3A_119 = arith.index_cast %get3A_117 : i32 to index
      %get3A_120 = arith.index_cast %mul3A_4 : i32 to index
      %get3A_121 = tpu.vector_load %arg6[%get3A_118, %get3A_119, %get3A_120] {strides = array<i32>} : memref<8x8x128xf32, #tpu.memory_space<vmem>>, vector<16xf32>,
      %max3A_122 = arith.maximumf %max3A, %get3A_91 : vector<16xf32>
      %sub3A_123 = arith.subf %max3A, %max3A_122 : vector<16xf32>
      %exp3A_124 = math.exp %sub3A_123 : vector<16xf32>
      %sub3A_125 = arith.subf %get3A_91, %max3A_122 : vector<16xf32>
      %exp3A_126 = math.exp %sub3A_125 : vector<16xf32>
      %mul3A_127 = arith.mulf %add3A_80, %exp3A_124 : vector<16xf32>
      %mul3A_128 = arith.mulf %get3A_97, %exp3A_126 : vector<16xf32>
      %add3A_129 = arith.addf %mul3A_127, %mul3A_128 : vector<16xf32>
      %mul3A_130 = arith.mulf %add3A_83, %exp3A_124 : vector<16xf32>
      %mul3A_131 = arith.mulf %get3A_103, %exp3A_126 : vector<16xf32>
      %add3A_132 = arith.addf %mul3A_130, %mul3A_131 : vector<16xf32>
      %gt3A_133 = arith.cmpf ogt, %get3A_109, %select_n3A : vector<16xf32>
      %select_n3A_134 = arith.select %gt3A_133, %get3A_109, %select_n3A : vector<16xi1>, vector<16xf32>
      %select_n3A_135 = arith.select %gt3A_133, %get3A_121, %select_n3A_84 : vector<16xi1>, vector<16xf32>
      %select_n3A_136 = arith.select %gt3A_133, %get3A_115, %select_n3A_85 : vector<16xi1>, vector<16xf32>
      %get3A_137 = arith.constant 3 : i32
      %get3A_138 = arith.constant 0 : i32
      %get3A_139 = arith.index_cast %get3A_137 : i32 to index
      %get3A_140 = arith.index_cast %get3A_138 : i32 to index
      %get3A_141 = arith.index_cast %mul3A_4 : i32 to index
      %get3A_142 = tpu.vector_load %arg6[%get3A_139, %get3A_140, %get3A_141] {strides = array<i32>} : memref<8x8x128xf32, #tpu.memory_space<vmem>>, vector<16xf32>,
      %get3A_143 = arith.constant 3 : i32
      %get3A_144 = arith.constant 1 : i32
      %get3A_145 = arith.index_cast %get3A_143 : i32 to index
      %get3A_146 = arith.index_cast %get3A_144 : i32 to index
      %get3A_147 = arith.index_cast %mul3A_4 : i32 to index
      %get3A_148 = tpu.vector_load %arg6[%get3A_145, %get3A_146, %get3A_147] {strides = array<i32>} : memref<8x8x128xf32, #tpu.memory_space<vmem>>, vector<16xf32>,
      %get3A_149 = arith.constant 3 : i32
      %get3A_150 = arith.constant 2 : i32
      %get3A_151 = arith.index_cast %get3A_149 : i32 to index
      %get3A_152 = arith.index_cast %get3A_150 : i32 to index
      %get3A_153 = arith.index_cast %mul3A_4 : i32 to index
      %get3A_154 = tpu.vector_load %arg6[%get3A_151, %get3A_152, %get3A_153] {strides = array<i32>} : memref<8x8x128xf32, #tpu.memory_space<vmem>>, vector<16xf32>,
      %get3A_155 = arith.constant 3 : i32
      %get3A_156 = arith.constant 3 : i32
      %get3A_157 = arith.index_cast %get3A_155 : i32 to index
      %get3A_158 = arith.index_cast %get3A_156 : i32 to index
      %get3A_159 = arith.index_cast %mul3A_4 : i32 to index
      %get3A_160 = tpu.vector_load %arg6[%get3A_157, %get3A_158, %get3A_159] {strides = array<i32>} : memref<8x8x128xf32, #tpu.memory_space<vmem>>, vector<16xf32>,
      %get3A_161 = arith.constant 3 : i32
      %get3A_162 = arith.constant 4 : i32
      %get3A_163 = arith.index_cast %get3A_161 : i32 to index
      %get3A_164 = arith.index_cast %get3A_162 : i32 to index
      %get3A_165 = arith.index_cast %mul3A_4 : i32 to index
      %get3A_166 = tpu.vector_load %arg6[%get3A_163, %get3A_164, %get3A_165] {strides = array<i32>} : memref<8x8x128xf32, #tpu.memory_space<vmem>>, vector<16xf32>,
      %get3A_167 = arith.constant 3 : i32
      %get3A_168 = arith.constant 5 : i32
      %get3A_169 = arith.index_cast %get3A_167 : i32 to index
      %get3A_170 = arith.index_cast %get3A_168 : i32 to index
      %get3A_171 = arith.index_cast %mul3A_4 : i32 to index
      %get3A_172 = tpu.vector_load %arg6[%get3A_169, %get3A_170, %get3A_171] {strides = array<i32>} : memref<8x8x128xf32, #tpu.memory_space<vmem>>, vector<16xf32>,
      %max3A_173 = arith.maximumf %max3A_122, %get3A_142 : vector<16xf32>
      %sub3A_174 = arith.subf %max3A_122, %max3A_173 : vector<16xf32>
      %exp3A_175 = math.exp %sub3A_174 : vector<16xf32>
      %sub3A_176 = arith.subf %get3A_142, %max3A_173 : vector<16xf32>
      %exp3A_177 = math.exp %sub3A_176 : vector<16xf32>
      %mul3A_178 = arith.mulf %add3A_129, %exp3A_175 : vector<16xf32>
      %mul3A_179 = arith.mulf %get3A_148, %exp3A_177 : vector<16xf32>
      %add3A_180 = arith.addf %mul3A_178, %mul3A_179 : vector<16xf32>
      %mul3A_181 = arith.mulf %add3A_132, %exp3A_175 : vector<16xf32>
      %mul3A_182 = arith.mulf %get3A_154, %exp3A_177 : vector<16xf32>
      %add3A_183 = arith.addf %mul3A_181, %mul3A_182 : vector<16xf32>
      %gt3A_184 = arith.cmpf ogt, %get3A_160, %select_n3A_134 : vector<16xf32>
      %select_n3A_185 = arith.select %gt3A_184, %get3A_160, %select_n3A_134 : vector<16xi1>, vector<16xf32>
      %select_n3A_186 = arith.select %gt3A_184, %get3A_172, %select_n3A_135 : vector<16xi1>, vector<16xf32>
      %select_n3A_187 = arith.select %gt3A_184, %get3A_166, %select_n3A_136 : vector<16xi1>, vector<16xf32>
      %get3A_188 = arith.constant 4 : i32
      %get3A_189 = arith.constant 0 : i32
      %get3A_190 = arith.index_cast %get3A_188 : i32 to index
      %get3A_191 = arith.index_cast %get3A_189 : i32 to index
      %get3A_192 = arith.index_cast %mul3A_4 : i32 to index
      %get3A_193 = tpu.vector_load %arg6[%get3A_190, %get3A_191, %get3A_192] {strides = array<i32>} : memref<8x8x128xf32, #tpu.memory_space<vmem>>, vector<16xf32>,
      %get3A_194 = arith.constant 4 : i32
      %get3A_195 = arith.constant 1 : i32
      %get3A_196 = arith.index_cast %get3A_194 : i32 to index
      %get3A_197 = arith.index_cast %get3A_195 : i32 to index
      %get3A_198 = arith.index_cast %mul3A_4 : i32 to index
      %get3A_199 = tpu.vector_load %arg6[%get3A_196, %get3A_197, %get3A_198] {strides = array<i32>} : memref<8x8x128xf32, #tpu.memory_space<vmem>>, vector<16xf32>,
      %get3A_200 = arith.constant 4 : i32
      %get3A_201 = arith.constant 2 : i32
      %get3A_202 = arith.index_cast %get3A_200 : i32 to index
      %get3A_203 = arith.index_cast %get3A_201 : i32 to index
      %get3A_204 = arith.index_cast %mul3A_4 : i32 to index
      %get3A_205 = tpu.vector_load %arg6[%get3A_202, %get3A_203, %get3A_204] {strides = array<i32>} : memref<8x8x128xf32, #tpu.memory_space<vmem>>, vector<16xf32>,
      %get3A_206 = arith.constant 4 : i32
      %get3A_207 = arith.constant 3 : i32
      %get3A_208 = arith.index_cast %get3A_206 : i32 to index
      %get3A_209 = arith.index_cast %get3A_207 : i32 to index
      %get3A_210 = arith.index_cast %mul3A_4 : i32 to index
      %get3A_211 = tpu.vector_load %arg6[%get3A_208, %get3A_209, %get3A_210] {strides = array<i32>} : memref<8x8x128xf32, #tpu.memory_space<vmem>>, vector<16xf32>,
      %get3A_212 = arith.constant 4 : i32
      %get3A_213 = arith.constant 4 : i32
      %get3A_214 = arith.index_cast %get3A_212 : i32 to index
      %get3A_215 = arith.index_cast %get3A_213 : i32 to index
      %get3A_216 = arith.index_cast %mul3A_4 : i32 to index
      %get3A_217 = tpu.vector_load %arg6[%get3A_214, %get3A_215, %get3A_216] {strides = array<i32>} : memref<8x8x128xf32, #tpu.memory_space<vmem>>, vector<16xf32>,
      %get3A_218 = arith.constant 4 : i32
      %get3A_219 = arith.constant 5 : i32
      %get3A_220 = arith.index_cast %get3A_218 : i32 to index
      %get3A_221 = arith.index_cast %get3A_219 : i32 to index
      %get3A_222 = arith.index_cast %mul3A_4 : i32 to index
      %get3A_223 = tpu.vector_load %arg6[%get3A_220, %get3A_221, %get3A_222] {strides = array<i32>} : memref<8x8x128xf32, #tpu.memory_space<vmem>>, vector<16xf32>,
      %max3A_224 = arith.maximumf %max3A_173, %get3A_193 : vector<16xf32>
      %sub3A_225 = arith.subf %max3A_173, %max3A_224 : vector<16xf32>
      %exp3A_226 = math.exp %sub3A_225 : vector<16xf32>
      %sub3A_227 = arith.subf %get3A_193, %max3A_224 : vector<16xf32>
      %exp3A_228 = math.exp %sub3A_227 : vector<16xf32>
      %mul3A_229 = arith.mulf %add3A_180, %exp3A_226 : vector<16xf32>
      %mul3A_230 = arith.mulf %get3A_199, %exp3A_228 : vector<16xf32>
      %add3A_231 = arith.addf %mul3A_229, %mul3A_230 : vector<16xf32>
      %mul3A_232 = arith.mulf %add3A_183, %exp3A_226 : vector<16xf32>
      %mul3A_233 = arith.mulf %get3A_205, %exp3A_228 : vector<16xf32>
      %add3A_234 = arith.addf %mul3A_232, %mul3A_233 : vector<16xf32>
      %gt3A_235 = arith.cmpf ogt, %get3A_211, %select_n3A_185 : vector<16xf32>
      %select_n3A_236 = arith.select %gt3A_235, %get3A_211, %select_n3A_185 : vector<16xi1>, vector<16xf32>
      %select_n3A_237 = arith.select %gt3A_235, %get3A_223, %select_n3A_186 : vector<16xi1>, vector<16xf32>
      %select_n3A_238 = arith.select %gt3A_235, %get3A_217, %select_n3A_187 : vector<16xi1>, vector<16xf32>
      %get3A_239 = arith.constant 5 : i32
      %get3A_240 = arith.constant 0 : i32
      %get3A_241 = arith.index_cast %get3A_239 : i32 to index
      %get3A_242 = arith.index_cast %get3A_240 : i32 to index
      %get3A_243 = arith.index_cast %mul3A_4 : i32 to index
      %get3A_244 = tpu.vector_load %arg6[%get3A_241, %get3A_242, %get3A_243] {strides = array<i32>} : memref<8x8x128xf32, #tpu.memory_space<vmem>>, vector<16xf32>,
      %get3A_245 = arith.constant 5 : i32
      %get3A_246 = arith.constant 1 : i32
      %get3A_247 = arith.index_cast %get3A_245 : i32 to index
      %get3A_248 = arith.index_cast %get3A_246 : i32 to index
      %get3A_249 = arith.index_cast %mul3A_4 : i32 to index
      %get3A_250 = tpu.vector_load %arg6[%get3A_247, %get3A_248, %get3A_249] {strides = array<i32>} : memref<8x8x128xf32, #tpu.memory_space<vmem>>, vector<16xf32>,
      %get3A_251 = arith.constant 5 : i32
      %get3A_252 = arith.constant 2 : i32
      %get3A_253 = arith.index_cast %get3A_251 : i32 to index
      %get3A_254 = arith.index_cast %get3A_252 : i32 to index
      %get3A_255 = arith.index_cast %mul3A_4 : i32 to index
      %get3A_256 = tpu.vector_load %arg6[%get3A_253, %get3A_254, %get3A_255] {strides = array<i32>} : memref<8x8x128xf32, #tpu.memory_space<vmem>>, vector<16xf32>,
      %get3A_257 = arith.constant 5 : i32
      %get3A_258 = arith.constant 3 : i32
      %get3A_259 = arith.index_cast %get3A_257 : i32 to index
      %get3A_260 = arith.index_cast %get3A_258 : i32 to index
      %get3A_261 = arith.index_cast %mul3A_4 : i32 to index
      %get3A_262 = tpu.vector_load %arg6[%get3A_259, %get3A_260, %get3A_261] {strides = array<i32>} : memref<8x8x128xf32, #tpu.memory_space<vmem>>, vector<16xf32>,
      %get3A_263 = arith.constant 5 : i32
      %get3A_264 = arith.constant 4 : i32
      %get3A_265 = arith.index_cast %get3A_263 : i32 to index
      %get3A_266 = arith.index_cast %get3A_264 : i32 to index
      %get3A_267 = arith.index_cast %mul3A_4 : i32 to index
      %get3A_268 = tpu.vector_load %arg6[%get3A_265, %get3A_266, %get3A_267] {strides = array<i32>} : memref<8x8x128xf32, #tpu.memory_space<vmem>>, vector<16xf32>,
      %get3A_269 = arith.constant 5 : i32
      %get3A_270 = arith.constant 5 : i32
      %get3A_271 = arith.index_cast %get3A_269 : i32 to index
      %get3A_272 = arith.index_cast %get3A_270 : i32 to index
      %get3A_273 = arith.index_cast %mul3A_4 : i32 to index
      %get3A_274 = tpu.vector_load %arg6[%get3A_271, %get3A_272, %get3A_273] {strides = array<i32>} : memref<8x8x128xf32, #tpu.memory_space<vmem>>, vector<16xf32>,
      %max3A_275 = arith.maximumf %max3A_224, %get3A_244 : vector<16xf32>
      %sub3A_276 = arith.subf %max3A_224, %max3A_275 : vector<16xf32>
      %exp3A_277 = math.exp %sub3A_276 : vector<16xf32>
      %sub3A_278 = arith.subf %get3A_244, %max3A_275 : vector<16xf32>
      %exp3A_279 = math.exp %sub3A_278 : vector<16xf32>
      %mul3A_280 = arith.mulf %add3A_231, %exp3A_277 : vector<16xf32>
      %mul3A_281 = arith.mulf %get3A_250, %exp3A_279 : vector<16xf32>
      %add3A_282 = arith.addf %mul3A_280, %mul3A_281 : vector<16xf32>
      %mul3A_283 = arith.mulf %add3A_234, %exp3A_277 : vector<16xf32>
      %mul3A_284 = arith.mulf %get3A_256, %exp3A_279 : vector<16xf32>
      %add3A_285 = arith.addf %mul3A_283, %mul3A_284 : vector<16xf32>
      %gt3A_286 = arith.cmpf ogt, %get3A_262, %select_n3A_236 : vector<16xf32>
      %select_n3A_287 = arith.select %gt3A_286, %get3A_262, %select_n3A_236 : vector<16xi1>, vector<16xf32>
      %select_n3A_288 = arith.select %gt3A_286, %get3A_274, %select_n3A_237 : vector<16xi1>, vector<16xf32>
      %select_n3A_289 = arith.select %gt3A_286, %get3A_268, %select_n3A_238 : vector<16xi1>, vector<16xf32>
      %get3A_290 = arith.constant 6 : i32
      %get3A_291 = arith.constant 0 : i32
      %get3A_292 = arith.index_cast %get3A_290 : i32 to index
      %get3A_293 = arith.index_cast %get3A_291 : i32 to index
      %get3A_294 = arith.index_cast %mul3A_4 : i32 to index
      %get3A_295 = tpu.vector_load %arg6[%get3A_292, %get3A_293, %get3A_294] {strides = array<i32>} : memref<8x8x128xf32, #tpu.memory_space<vmem>>, vector<16xf32>,
      %get3A_296 = arith.constant 6 : i32
      %get3A_297 = arith.constant 1 : i32
      %get3A_298 = arith.index_cast %get3A_296 : i32 to index
      %get3A_299 = arith.index_cast %get3A_297 : i32 to index
      %get3A_300 = arith.index_cast %mul3A_4 : i32 to index
      %get3A_301 = tpu.vector_load %arg6[%get3A_298, %get3A_299, %get3A_300] {strides = array<i32>} : memref<8x8x128xf32, #tpu.memory_space<vmem>>, vector<16xf32>,
      %get3A_302 = arith.constant 6 : i32
      %get3A_303 = arith.constant 2 : i32
      %get3A_304 = arith.index_cast %get3A_302 : i32 to index
      %get3A_305 = arith.index_cast %get3A_303 : i32 to index
      %get3A_306 = arith.index_cast %mul3A_4 : i32 to index
      %get3A_307 = tpu.vector_load %arg6[%get3A_304, %get3A_305, %get3A_306] {strides = array<i32>} : memref<8x8x128xf32, #tpu.memory_space<vmem>>, vector<16xf32>,
      %get3A_308 = arith.constant 6 : i32
      %get3A_309 = arith.constant 3 : i32
      %get3A_310 = arith.index_cast %get3A_308 : i32 to index
      %get3A_311 = arith.index_cast %get3A_309 : i32 to index
      %get3A_312 = arith.index_cast %mul3A_4 : i32 to index
      %get3A_313 = tpu.vector_load %arg6[%get3A_310, %get3A_311, %get3A_312] {strides = array<i32>} : memref<8x8x128xf32, #tpu.memory_space<vmem>>, vector<16xf32>,
      %get3A_314 = arith.constant 6 : i32
      %get3A_315 = arith.constant 4 : i32
      %get3A_316 = arith.index_cast %get3A_314 : i32 to index
      %get3A_317 = arith.index_cast %get3A_315 : i32 to index
      %get3A_318 = arith.index_cast %mul3A_4 : i32 to index
      %get3A_319 = tpu.vector_load %arg6[%get3A_316, %get3A_317, %get3A_318] {strides = array<i32>} : memref<8x8x128xf32, #tpu.memory_space<vmem>>, vector<16xf32>,
      %get3A_320 = arith.constant 6 : i32
      %get3A_321 = arith.constant 5 : i32
      %get3A_322 = arith.index_cast %get3A_320 : i32 to index
      %get3A_323 = arith.index_cast %get3A_321 : i32 to index
      %get3A_324 = arith.index_cast %mul3A_4 : i32 to index
      %get3A_325 = tpu.vector_load %arg6[%get3A_322, %get3A_323, %get3A_324] {strides = array<i32>} : memref<8x8x128xf32, #tpu.memory_space<vmem>>, vector<16xf32>,
      %max3A_326 = arith.maximumf %max3A_275, %get3A_295 : vector<16xf32>
      %sub3A_327 = arith.subf %max3A_275, %max3A_326 : vector<16xf32>
      %exp3A_328 = math.exp %sub3A_327 : vector<16xf32>
      %sub3A_329 = arith.subf %get3A_295, %max3A_326 : vector<16xf32>
      %exp3A_330 = math.exp %sub3A_329 : vector<16xf32>
      %mul3A_331 = arith.mulf %add3A_282, %exp3A_328 : vector<16xf32>
      %mul3A_332 = arith.mulf %get3A_301, %exp3A_330 : vector<16xf32>
      %add3A_333 = arith.addf %mul3A_331, %mul3A_332 : vector<16xf32>
      %mul3A_334 = arith.mulf %add3A_285, %exp3A_328 : vector<16xf32>
      %mul3A_335 = arith.mulf %get3A_307, %exp3A_330 : vector<16xf32>
      %add3A_336 = arith.addf %mul3A_334, %mul3A_335 : vector<16xf32>
      %gt3A_337 = arith.cmpf ogt, %get3A_313, %select_n3A_287 : vector<16xf32>
      %select_n3A_338 = arith.select %gt3A_337, %get3A_313, %select_n3A_287 : vector<16xi1>, vector<16xf32>
      %select_n3A_339 = arith.select %gt3A_337, %get3A_325, %select_n3A_288 : vector<16xi1>, vector<16xf32>
      %select_n3A_340 = arith.select %gt3A_337, %get3A_319, %select_n3A_289 : vector<16xi1>, vector<16xf32>
      %get3A_341 = arith.constant 7 : i32
      %get3A_342 = arith.constant 0 : i32
      %get3A_343 = arith.index_cast %get3A_341 : i32 to index
      %get3A_344 = arith.index_cast %get3A_342 : i32 to index
      %get3A_345 = arith.index_cast %mul3A_4 : i32 to index
      %get3A_346 = tpu.vector_load %arg6[%get3A_343, %get3A_344, %get3A_345] {strides = array<i32>} : memref<8x8x128xf32, #tpu.memory_space<vmem>>, vector<16xf32>,
      %get3A_347 = arith.constant 7 : i32
      %get3A_348 = arith.constant 1 : i32
      %get3A_349 = arith.index_cast %get3A_347 : i32 to index
      %get3A_350 = arith.index_cast %get3A_348 : i32 to index
      %get3A_351 = arith.index_cast %mul3A_4 : i32 to index
      %get3A_352 = tpu.vector_load %arg6[%get3A_349, %get3A_350, %get3A_351] {strides = array<i32>} : memref<8x8x128xf32, #tpu.memory_space<vmem>>, vector<16xf32>,
      %get3A_353 = arith.constant 7 : i32
      %get3A_354 = arith.constant 2 : i32
      %get3A_355 = arith.index_cast %get3A_353 : i32 to index
      %get3A_356 = arith.index_cast %get3A_354 : i32 to index
      %get3A_357 = arith.index_cast %mul3A_4 : i32 to index
      %get3A_358 = tpu.vector_load %arg6[%get3A_355, %get3A_356, %get3A_357] {strides = array<i32>} : memref<8x8x128xf32, #tpu.memory_space<vmem>>, vector<16xf32>,
      %get3A_359 = arith.constant 7 : i32
      %get3A_360 = arith.constant 3 : i32
      %get3A_361 = arith.index_cast %get3A_359 : i32 to index
      %get3A_362 = arith.index_cast %get3A_360 : i32 to index
      %get3A_363 = arith.index_cast %mul3A_4 : i32 to index
      %get3A_364 = tpu.vector_load %arg6[%get3A_361, %get3A_362, %get3A_363] {strides = array<i32>} : memref<8x8x128xf32, #tpu.memory_space<vmem>>, vector<16xf32>,
      %get3A_365 = arith.constant 7 : i32
      %get3A_366 = arith.constant 4 : i32
      %get3A_367 = arith.index_cast %get3A_365 : i32 to index
      %get3A_368 = arith.index_cast %get3A_366 : i32 to index
      %get3A_369 = arith.index_cast %mul3A_4 : i32 to index
      %get3A_370 = tpu.vector_load %arg6[%get3A_367, %get3A_368, %get3A_369] {strides = array<i32>} : memref<8x8x128xf32, #tpu.memory_space<vmem>>, vector<16xf32>,
      %get3A_371 = arith.constant 7 : i32
      %get3A_372 = arith.constant 5 : i32
      %get3A_373 = arith.index_cast %get3A_371 : i32 to index
      %get3A_374 = arith.index_cast %get3A_372 : i32 to index
      %get3A_375 = arith.index_cast %mul3A_4 : i32 to index
      %get3A_376 = tpu.vector_load %arg6[%get3A_373, %get3A_374, %get3A_375] {strides = array<i32>} : memref<8x8x128xf32, #tpu.memory_space<vmem>>, vector<16xf32>,
      %max3A_377 = arith.maximumf %max3A_326, %get3A_346 : vector<16xf32>
      %sub3A_378 = arith.subf %max3A_326, %max3A_377 : vector<16xf32>
      %exp3A_379 = math.exp %sub3A_378 : vector<16xf32>
      %sub3A_380 = arith.subf %get3A_346, %max3A_377 : vector<16xf32>
      %exp3A_381 = math.exp %sub3A_380 : vector<16xf32>
      %mul3A_382 = arith.mulf %add3A_333, %exp3A_379 : vector<16xf32>
      %mul3A_383 = arith.mulf %get3A_352, %exp3A_381 : vector<16xf32>
      %add3A_384 = arith.addf %mul3A_382, %mul3A_383 : vector<16xf32>
      %mul3A_385 = arith.mulf %add3A_336, %exp3A_379 : vector<16xf32>
      %mul3A_386 = arith.mulf %get3A_358, %exp3A_381 : vector<16xf32>
      %add3A_387 = arith.addf %mul3A_385, %mul3A_386 : vector<16xf32>
      %gt3A_388 = arith.cmpf ogt, %get3A_364, %select_n3A_338 : vector<16xf32>
      %select_n3A_389 = arith.select %gt3A_388, %get3A_364, %select_n3A_338 : vector<16xi1>, vector<16xf32>
      %select_n3A_390 = arith.select %gt3A_388, %get3A_376, %select_n3A_339 : vector<16xi1>, vector<16xf32>
      %select_n3A_391 = arith.select %gt3A_388, %get3A_370, %select_n3A_340 : vector<16xi1>, vector<16xf32>
      %bitcast3A = vector.bitcast %add3A_384 : vector<16xf32> to vector<16xi32>
      %shift_right_arithmetic3A = arith.constant 23 : i32
      %shift_right_arithmetic3A_392 = vector.broadcast %shift_right_arithmetic3A : i32 to vector<16xi32>
      %shift_right_arithmetic3A_393 = arith.shrsi %bitcast3A, %shift_right_arithmetic3A_392 : vector<16xi32>
      %sub3A_394 = arith.constant 127 : i32
      %sub3A_395 = vector.broadcast %sub3A_394 : i32 to vector<16xi32>
      %sub3A_396 = arith.subi %shift_right_arithmetic3A_393, %sub3A_395 : vector<16xi32>
      %and3A = arith.constant 8388607 : i32
      %and3A_397 = vector.broadcast %and3A : i32 to vector<16xi32>
      %and3A_398 = arith.andi %bitcast3A, %and3A_397 : vector<16xi32>
      %or3A = arith.constant 1065353216 : i32
      %or3A_399 = vector.broadcast %or3A : i32 to vector<16xi32>
      %or3A_400 = arith.ori %and3A_398, %or3A_399 : vector<16xi32>
      %bitcast3A_401 = vector.bitcast %or3A_400 : vector<16xi32> to vector<16xf32>
      %gt3A_402 = arith.constant 1.41421354 : f32
      %gt3A_403 = vector.broadcast %gt3A_402 : f32 to vector<16xf32>
      %gt3A_404 = arith.cmpf ogt, %bitcast3A_401, %gt3A_403 : vector<16xf32>
      %mul3A_405 = arith.constant 5.000000e-01 : f32
      %mul3A_406 = vector.broadcast %mul3A_405 : f32 to vector<16xf32>
      %mul3A_407 = arith.mulf %bitcast3A_401, %mul3A_406 : vector<16xf32>
      %select_n3A_408 = arith.select %gt3A_404, %mul3A_407, %bitcast3A_401 : vector<16xi1>, vector<16xf32>
      %add3A_409 = arith.constant 1 : i32
      %add3A_410 = vector.broadcast %add3A_409 : i32 to vector<16xi32>
      %add3A_411 = arith.addi %sub3A_396, %add3A_410 : vector<16xi32>
      %select_n3A_412 = arith.select %gt3A_404, %add3A_411, %sub3A_396 : vector<16xi1>, vector<16xi32>
      %convert_element_type3A_413 = arith.sitofp %select_n3A_412 : vector<16xi32> to vector<16xf32>
      %sub3A_414 = arith.constant 1.000000e+00 : f32
      %sub3A_415 = vector.broadcast %sub3A_414 : f32 to vector<16xf32>
      %sub3A_416 = arith.subf %select_n3A_408, %sub3A_415 : vector<16xf32>
      %add3A_417 = arith.constant 1.000000e+00 : f32
      %add3A_418 = vector.broadcast %add3A_417 : f32 to vector<16xf32>
      %add3A_419 = arith.addf %select_n3A_408, %add3A_418 : vector<16xf32>
      %div3A = arith.divf %sub3A_416, %add3A_419 : vector<16xf32>
      %mul3A_420 = arith.mulf %div3A, %div3A : vector<16xf32>
      %mul3A_421 = arith.constant 0.142857149 : f32
      %mul3A_422 = vector.broadcast %mul3A_421 : f32 to vector<16xf32>
      %mul3A_423 = arith.mulf %mul3A_420, %mul3A_422 : vector<16xf32>
      %add3A_424 = arith.constant 2.000000e-01 : f32
      %add3A_425 = vector.broadcast %add3A_424 : f32 to vector<16xf32>
      %add3A_426 = arith.addf %add3A_425, %mul3A_423 : vector<16xf32>
      %mul3A_427 = arith.mulf %mul3A_420, %add3A_426 : vector<16xf32>
      %add3A_428 = arith.constant 0.333333343 : f32
      %add3A_429 = vector.broadcast %add3A_428 : f32 to vector<16xf32>
      %add3A_430 = arith.addf %add3A_429, %mul3A_427 : vector<16xf32>
      %mul3A_431 = arith.mulf %mul3A_420, %add3A_430 : vector<16xf32>
      %add3A_432 = arith.constant 1.000000e+00 : f32
      %add3A_433 = vector.broadcast %add3A_432 : f32 to vector<16xf32>
      %add3A_434 = arith.addf %add3A_433, %mul3A_431 : vector<16xf32>
      %mul3A_435 = arith.mulf %div3A, %add3A_434 : vector<16xf32>
      %mul3A_436 = arith.constant 0.693147182 : f32
      %mul3A_437 = vector.broadcast %mul3A_436 : f32 to vector<16xf32>
      %mul3A_438 = arith.mulf %convert_element_type3A_413, %mul3A_437 : vector<16xf32>
      %mul3A_439 = arith.constant 2.000000e+00 : f32
      %mul3A_440 = vector.broadcast %mul3A_439 : f32 to vector<16xf32>
      %mul3A_441 = arith.mulf %mul3A_440, %mul3A_435 : vector<16xf32>
      %add3A_442 = arith.addf %mul3A_438, %mul3A_441 : vector<16xf32>
      %add3A_443 = arith.addf %max3A_377, %add3A_442 : vector<16xf32>
      %convert_element_type3A_444 = arith.fptosi %select_n3A_390 : vector<16xf32> to vector<16xi32>
      %swap3A = arith.constant 0 : index
      %swap3A_445 = tpu.vector_load %arg7[%swap3A] {strides = array<i32>} : memref<16xi32, #tpu.memory_space<vmem>>, vector<16xi32>,
      tpu.vector_store %arg7[%swap3A], %convert_element_type3A_444 {strides = array<i32>} : memref<16xi32, #tpu.memory_space<vmem>>, vector<16xi32>,
      %sub3A_446 = arith.subf %add3A_443, %select_n3A_391 : vector<16xf32>
      %swap3A_447 = arith.constant 0 : index
      %swap3A_448 = tpu.vector_load %arg8[%swap3A_447] {strides = array<i32>} : memref<16xf32, #tpu.memory_space<vmem>>, vector<16xf32>,
      tpu.vector_store %arg8[%swap3A_447], %sub3A_446 {strides = array<i32>} : memref<16xf32, #tpu.memory_space<vmem>>, vector<16xf32>,
      %div3A_449 = arith.divf %add3A_387, %add3A_384 : vector<16xf32>
      %sub3A_450 = arith.subf %add3A_443, %div3A_449 : vector<16xf32>
      %swap3A_451 = arith.constant 0 : index
      %swap3A_452 = tpu.vector_load %arg9[%swap3A_451] {strides = array<i32>} : memref<16xf32, #tpu.memory_space<vmem>>, vector<16xf32>,
      tpu.vector_store %arg9[%swap3A_451], %sub3A_450 {strides = array<i32>} : memref<16xf32, #tpu.memory_space<vmem>>, vector<16xf32>,
      "tpu.region"() ({
        %run_scoped3A = tpu.sem_alloc : memref<!tpu.dma_semaphore, #tpu.memory_space<semaphore_mem>>
        %dma_start3A = tpu.memref_slice %arg3[%mul3A_4] : memref<128xi32, #tpu.memory_space<hbm>> -> memref<16xi32, #tpu.memory_space<hbm>>
        %dma_start3A_453 = tpu.memref_slice %arg3[%mul3A_4] : memref<128xi32, #tpu.memory_space<hbm>> -> memref<16xi32, #tpu.memory_space<hbm>>
        tpu.enqueue_dma source(%arg7 : memref<16xi32, #tpu.memory_space<vmem>>) target(%dma_start3A_453 : memref<16xi32, #tpu.memory_space<hbm>>) target_semaphore(%run_scoped3A : memref<!tpu.dma_semaphore, #tpu.memory_space<semaphore_mem>>)
        %dma_wait3A = tpu.memref_slice %arg3[%mul3A_4] : memref<128xi32, #tpu.memory_space<hbm>> -> memref<16xi32, #tpu.memory_space<hbm>>
        %dma_wait3A_454 = tpu.memref_slice %arg3[%mul3A_4] : memref<128xi32, #tpu.memory_space<hbm>> -> memref<16xi32, #tpu.memory_space<hbm>>
        tpu.wait_dma2 semaphore(%run_scoped3A : memref<!tpu.dma_semaphore, #tpu.memory_space<semaphore_mem>>) src(%arg7 : memref<16xi32, #tpu.memory_space<vmem>>) dst(%dma_wait3A_454 : memref<16xi32, #tpu.memory_space<hbm>>)
        tpu.yield
      }) : () -> ()
      "tpu.region"() ({
        %run_scoped3A = tpu.sem_alloc : memref<!tpu.dma_semaphore, #tpu.memory_space<semaphore_mem>>
        %dma_start3A = tpu.memref_slice %arg4[%mul3A_4] : memref<128xf32, #tpu.memory_space<hbm>> -> memref<16xf32, #tpu.memory_space<hbm>>
        %dma_start3A_453 = tpu.memref_slice %arg4[%mul3A_4] : memref<128xf32, #tpu.memory_space<hbm>> -> memref<16xf32, #tpu.memory_space<hbm>>
        tpu.enqueue_dma source(%arg8 : memref<16xf32, #tpu.memory_space<vmem>>) target(%dma_start3A_453 : memref<16xf32, #tpu.memory_space<hbm>>) target_semaphore(%run_scoped3A : memref<!tpu.dma_semaphore, #tpu.memory_space<semaphore_mem>>)
        %dma_wait3A = tpu.memref_slice %arg4[%mul3A_4] : memref<128xf32, #tpu.memory_space<hbm>> -> memref<16xf32, #tpu.memory_space<hbm>>
        %dma_wait3A_454 = tpu.memref_slice %arg4[%mul3A_4] : memref<128xf32, #tpu.memory_space<hbm>> -> memref<16xf32, #tpu.memory_space<hbm>>
        tpu.wait_dma2 semaphore(%run_scoped3A : memref<!tpu.dma_semaphore, #tpu.memory_space<semaphore_mem>>) src(%arg8 : memref<16xf32, #tpu.memory_space<vmem>>) dst(%dma_wait3A_454 : memref<16xf32, #tpu.memory_space<hbm>>)
        tpu.yield
      }) : () -> ()
      "tpu.region"() ({
        %run_scoped3A = tpu.sem_alloc : memref<!tpu.dma_semaphore, #tpu.memory_space<semaphore_mem>>
        %dma_start3A = tpu.memref_slice %arg5[%mul3A_4] : memref<128xf32, #tpu.memory_space<hbm>> -> memref<16xf32, #tpu.memory_space<hbm>>
        %dma_start3A_453 = tpu.memref_slice %arg5[%mul3A_4] : memref<128xf32, #tpu.memory_space<hbm>> -> memref<16xf32, #tpu.memory_space<hbm>>
        tpu.enqueue_dma source(%arg9 : memref<16xf32, #tpu.memory_space<vmem>>) target(%dma_start3A_453 : memref<16xf32, #tpu.memory_space<hbm>>) target_semaphore(%run_scoped3A : memref<!tpu.dma_semaphore, #tpu.memory_space<semaphore_mem>>)
        %dma_wait3A = tpu.memref_slice %arg5[%mul3A_4] : memref<128xf32, #tpu.memory_space<hbm>> -> memref<16xf32, #tpu.memory_space<hbm>>
        %dma_wait3A_454 = tpu.memref_slice %arg5[%mul3A_4] : memref<128xf32, #tpu.memory_space<hbm>> -> memref<16xf32, #tpu.memory_space<hbm>>
        tpu.wait_dma2 semaphore(%run_scoped3A : memref<!tpu.dma_semaphore, #tpu.memory_space<semaphore_mem>>) src(%arg9 : memref<16xf32, #tpu.memory_space<vmem>>) dst(%dma_wait3A_454 : memref<16xf32, #tpu.memory_space<hbm>>)
        tpu.yield
      }) : () -> ()
    } else {
    }
    return
  }
}

module attributes {stable_mosaic.version = 14 : i64} {
  func.func @_tc_body(%arg0: memref<128x2048xf32, #tpu.memory_space<vmem>>, %arg1: memref<1x1000xf32, #tpu.memory_space<vmem>>, %arg2: memref<128x1000xf32, #tpu.memory_space<vmem>>, %arg3: memref<4096x1000xf32, #tpu.memory_space<any>>, %arg4: memref<8x8x128xf32, #tpu.memory_space<vmem>>, %arg5: memref<8x512x1000xf32, #tpu.memory_space<vmem>>, %arg6: memref<8x!tpu.dma_semaphore, #tpu.memory_space<semaphore_mem>>) attributes {dimension_semantics = [], scalar_prefetch = 0 : i64, scratch_operands = 2 : i64, tpu.core_type = #tpu.core_type<tc>} {
    %dma_start3A = arith.constant 0 : i32
    %dma_start3A_0 = arith.constant 0 : i32
    %dma_start3A_1 = tpu.memref_slice %arg6[%dma_start3A_0] : memref<8x!tpu.dma_semaphore, #tpu.memory_space<semaphore_mem>> -> memref<1x!tpu.dma_semaphore, #tpu.memory_space<semaphore_mem>>
    %dma_start3A_2 = tpu.memref_squeeze %dma_start3A_1 : memref<1x!tpu.dma_semaphore, #tpu.memory_space<semaphore_mem>> -> memref<!tpu.dma_semaphore, #tpu.memory_space<semaphore_mem>>
    %dma_start3A_3 = arith.constant 0 : i32
    %dma_start3A_4 = arith.constant 0 : i32
    %dma_start3A_5 = tpu.memref_slice %arg5[%dma_start3A, %dma_start3A_3, %dma_start3A_4] : memref<8x512x1000xf32, #tpu.memory_space<vmem>> -> memref<1x512x1000xf32, #tpu.memory_space<vmem>>
    %dma_start3A_6 = tpu.memref_squeeze %dma_start3A_5 : memref<1x512x1000xf32, #tpu.memory_space<vmem>> -> memref<512x1000xf32, #tpu.memory_space<vmem>>
    %dma_start3A_7 = arith.constant 0 : i32
    %dma_start3A_8 = arith.constant 0 : i32
    %dma_start3A_9 = tpu.memref_slice %arg3[%dma_start3A_7, %dma_start3A_8] : memref<4096x1000xf32, #tpu.memory_space<any>> -> memref<512x1000xf32, #tpu.memory_space<any>>
    tpu.enqueue_dma source(%dma_start3A_9 : memref<512x1000xf32, #tpu.memory_space<any>>) target(%dma_start3A_6 : memref<512x1000xf32, #tpu.memory_space<vmem>>) target_semaphore(%dma_start3A_2 : memref<!tpu.dma_semaphore, #tpu.memory_space<semaphore_mem>>)
    %dma_start3A_10 = arith.constant 1 : i32
    %dma_start3A_11 = arith.constant 1 : i32
    %dma_start3A_12 = tpu.memref_slice %arg6[%dma_start3A_11] : memref<8x!tpu.dma_semaphore, #tpu.memory_space<semaphore_mem>> -> memref<1x!tpu.dma_semaphore, #tpu.memory_space<semaphore_mem>>
    %dma_start3A_13 = tpu.memref_squeeze %dma_start3A_12 : memref<1x!tpu.dma_semaphore, #tpu.memory_space<semaphore_mem>> -> memref<!tpu.dma_semaphore, #tpu.memory_space<semaphore_mem>>
    %dma_start3A_14 = arith.constant 0 : i32
    %dma_start3A_15 = arith.constant 0 : i32
    %dma_start3A_16 = tpu.memref_slice %arg5[%dma_start3A_10, %dma_start3A_14, %dma_start3A_15] : memref<8x512x1000xf32, #tpu.memory_space<vmem>> -> memref<1x512x1000xf32, #tpu.memory_space<vmem>>
    %dma_start3A_17 = tpu.memref_squeeze %dma_start3A_16 : memref<1x512x1000xf32, #tpu.memory_space<vmem>> -> memref<512x1000xf32, #tpu.memory_space<vmem>>
    %dma_start3A_18 = arith.constant 512 : i32
    %dma_start3A_19 = arith.constant 0 : i32
    %dma_start3A_20 = tpu.memref_slice %arg3[%dma_start3A_18, %dma_start3A_19] : memref<4096x1000xf32, #tpu.memory_space<any>> -> memref<512x1000xf32, #tpu.memory_space<any>>
    tpu.enqueue_dma source(%dma_start3A_20 : memref<512x1000xf32, #tpu.memory_space<any>>) target(%dma_start3A_17 : memref<512x1000xf32, #tpu.memory_space<vmem>>) target_semaphore(%dma_start3A_13 : memref<!tpu.dma_semaphore, #tpu.memory_space<semaphore_mem>>)
    %dma_start3A_21 = arith.constant 2 : i32
    %dma_start3A_22 = arith.constant 2 : i32
    %dma_start3A_23 = tpu.memref_slice %arg6[%dma_start3A_22] : memref<8x!tpu.dma_semaphore, #tpu.memory_space<semaphore_mem>> -> memref<1x!tpu.dma_semaphore, #tpu.memory_space<semaphore_mem>>
    %dma_start3A_24 = tpu.memref_squeeze %dma_start3A_23 : memref<1x!tpu.dma_semaphore, #tpu.memory_space<semaphore_mem>> -> memref<!tpu.dma_semaphore, #tpu.memory_space<semaphore_mem>>
    %dma_start3A_25 = arith.constant 0 : i32
    %dma_start3A_26 = arith.constant 0 : i32
    %dma_start3A_27 = tpu.memref_slice %arg5[%dma_start3A_21, %dma_start3A_25, %dma_start3A_26] : memref<8x512x1000xf32, #tpu.memory_space<vmem>> -> memref<1x512x1000xf32, #tpu.memory_space<vmem>>
    %dma_start3A_28 = tpu.memref_squeeze %dma_start3A_27 : memref<1x512x1000xf32, #tpu.memory_space<vmem>> -> memref<512x1000xf32, #tpu.memory_space<vmem>>
    %dma_start3A_29 = arith.constant 1024 : i32
    %dma_start3A_30 = arith.constant 0 : i32
    %dma_start3A_31 = tpu.memref_slice %arg3[%dma_start3A_29, %dma_start3A_30] : memref<4096x1000xf32, #tpu.memory_space<any>> -> memref<512x1000xf32, #tpu.memory_space<any>>
    tpu.enqueue_dma source(%dma_start3A_31 : memref<512x1000xf32, #tpu.memory_space<any>>) target(%dma_start3A_28 : memref<512x1000xf32, #tpu.memory_space<vmem>>) target_semaphore(%dma_start3A_24 : memref<!tpu.dma_semaphore, #tpu.memory_space<semaphore_mem>>)
    %dma_start3A_32 = arith.constant 3 : i32
    %dma_start3A_33 = arith.constant 3 : i32
    %dma_start3A_34 = tpu.memref_slice %arg6[%dma_start3A_33] : memref<8x!tpu.dma_semaphore, #tpu.memory_space<semaphore_mem>> -> memref<1x!tpu.dma_semaphore, #tpu.memory_space<semaphore_mem>>
    %dma_start3A_35 = tpu.memref_squeeze %dma_start3A_34 : memref<1x!tpu.dma_semaphore, #tpu.memory_space<semaphore_mem>> -> memref<!tpu.dma_semaphore, #tpu.memory_space<semaphore_mem>>
    %dma_start3A_36 = arith.constant 0 : i32
    %dma_start3A_37 = arith.constant 0 : i32
    %dma_start3A_38 = tpu.memref_slice %arg5[%dma_start3A_32, %dma_start3A_36, %dma_start3A_37] : memref<8x512x1000xf32, #tpu.memory_space<vmem>> -> memref<1x512x1000xf32, #tpu.memory_space<vmem>>
    %dma_start3A_39 = tpu.memref_squeeze %dma_start3A_38 : memref<1x512x1000xf32, #tpu.memory_space<vmem>> -> memref<512x1000xf32, #tpu.memory_space<vmem>>
    %dma_start3A_40 = arith.constant 1536 : i32
    %dma_start3A_41 = arith.constant 0 : i32
    %dma_start3A_42 = tpu.memref_slice %arg3[%dma_start3A_40, %dma_start3A_41] : memref<4096x1000xf32, #tpu.memory_space<any>> -> memref<512x1000xf32, #tpu.memory_space<any>>
    tpu.enqueue_dma source(%dma_start3A_42 : memref<512x1000xf32, #tpu.memory_space<any>>) target(%dma_start3A_39 : memref<512x1000xf32, #tpu.memory_space<vmem>>) target_semaphore(%dma_start3A_35 : memref<!tpu.dma_semaphore, #tpu.memory_space<semaphore_mem>>)
    %dma_start3A_43 = arith.constant 4 : i32
    %dma_start3A_44 = arith.constant 4 : i32
    %dma_start3A_45 = tpu.memref_slice %arg6[%dma_start3A_44] : memref<8x!tpu.dma_semaphore, #tpu.memory_space<semaphore_mem>> -> memref<1x!tpu.dma_semaphore, #tpu.memory_space<semaphore_mem>>
    %dma_start3A_46 = tpu.memref_squeeze %dma_start3A_45 : memref<1x!tpu.dma_semaphore, #tpu.memory_space<semaphore_mem>> -> memref<!tpu.dma_semaphore, #tpu.memory_space<semaphore_mem>>
    %dma_start3A_47 = arith.constant 0 : i32
    %dma_start3A_48 = arith.constant 0 : i32
    %dma_start3A_49 = tpu.memref_slice %arg5[%dma_start3A_43, %dma_start3A_47, %dma_start3A_48] : memref<8x512x1000xf32, #tpu.memory_space<vmem>> -> memref<1x512x1000xf32, #tpu.memory_space<vmem>>
    %dma_start3A_50 = tpu.memref_squeeze %dma_start3A_49 : memref<1x512x1000xf32, #tpu.memory_space<vmem>> -> memref<512x1000xf32, #tpu.memory_space<vmem>>
    %dma_start3A_51 = arith.constant 2048 : i32
    %dma_start3A_52 = arith.constant 0 : i32
    %dma_start3A_53 = tpu.memref_slice %arg3[%dma_start3A_51, %dma_start3A_52] : memref<4096x1000xf32, #tpu.memory_space<any>> -> memref<512x1000xf32, #tpu.memory_space<any>>
    tpu.enqueue_dma source(%dma_start3A_53 : memref<512x1000xf32, #tpu.memory_space<any>>) target(%dma_start3A_50 : memref<512x1000xf32, #tpu.memory_space<vmem>>) target_semaphore(%dma_start3A_46 : memref<!tpu.dma_semaphore, #tpu.memory_space<semaphore_mem>>)
    %dma_start3A_54 = arith.constant 5 : i32
    %dma_start3A_55 = arith.constant 5 : i32
    %dma_start3A_56 = tpu.memref_slice %arg6[%dma_start3A_55] : memref<8x!tpu.dma_semaphore, #tpu.memory_space<semaphore_mem>> -> memref<1x!tpu.dma_semaphore, #tpu.memory_space<semaphore_mem>>
    %dma_start3A_57 = tpu.memref_squeeze %dma_start3A_56 : memref<1x!tpu.dma_semaphore, #tpu.memory_space<semaphore_mem>> -> memref<!tpu.dma_semaphore, #tpu.memory_space<semaphore_mem>>
    %dma_start3A_58 = arith.constant 0 : i32
    %dma_start3A_59 = arith.constant 0 : i32
    %dma_start3A_60 = tpu.memref_slice %arg5[%dma_start3A_54, %dma_start3A_58, %dma_start3A_59] : memref<8x512x1000xf32, #tpu.memory_space<vmem>> -> memref<1x512x1000xf32, #tpu.memory_space<vmem>>
    %dma_start3A_61 = tpu.memref_squeeze %dma_start3A_60 : memref<1x512x1000xf32, #tpu.memory_space<vmem>> -> memref<512x1000xf32, #tpu.memory_space<vmem>>
    %dma_start3A_62 = arith.constant 2560 : i32
    %dma_start3A_63 = arith.constant 0 : i32
    %dma_start3A_64 = tpu.memref_slice %arg3[%dma_start3A_62, %dma_start3A_63] : memref<4096x1000xf32, #tpu.memory_space<any>> -> memref<512x1000xf32, #tpu.memory_space<any>>
    tpu.enqueue_dma source(%dma_start3A_64 : memref<512x1000xf32, #tpu.memory_space<any>>) target(%dma_start3A_61 : memref<512x1000xf32, #tpu.memory_space<vmem>>) target_semaphore(%dma_start3A_57 : memref<!tpu.dma_semaphore, #tpu.memory_space<semaphore_mem>>)
    %dma_start3A_65 = arith.constant 6 : i32
    %dma_start3A_66 = arith.constant 6 : i32
    %dma_start3A_67 = tpu.memref_slice %arg6[%dma_start3A_66] : memref<8x!tpu.dma_semaphore, #tpu.memory_space<semaphore_mem>> -> memref<1x!tpu.dma_semaphore, #tpu.memory_space<semaphore_mem>>
    %dma_start3A_68 = tpu.memref_squeeze %dma_start3A_67 : memref<1x!tpu.dma_semaphore, #tpu.memory_space<semaphore_mem>> -> memref<!tpu.dma_semaphore, #tpu.memory_space<semaphore_mem>>
    %dma_start3A_69 = arith.constant 0 : i32
    %dma_start3A_70 = arith.constant 0 : i32
    %dma_start3A_71 = tpu.memref_slice %arg5[%dma_start3A_65, %dma_start3A_69, %dma_start3A_70] : memref<8x512x1000xf32, #tpu.memory_space<vmem>> -> memref<1x512x1000xf32, #tpu.memory_space<vmem>>
    %dma_start3A_72 = tpu.memref_squeeze %dma_start3A_71 : memref<1x512x1000xf32, #tpu.memory_space<vmem>> -> memref<512x1000xf32, #tpu.memory_space<vmem>>
    %dma_start3A_73 = arith.constant 3072 : i32
    %dma_start3A_74 = arith.constant 0 : i32
    %dma_start3A_75 = tpu.memref_slice %arg3[%dma_start3A_73, %dma_start3A_74] : memref<4096x1000xf32, #tpu.memory_space<any>> -> memref<512x1000xf32, #tpu.memory_space<any>>
    tpu.enqueue_dma source(%dma_start3A_75 : memref<512x1000xf32, #tpu.memory_space<any>>) target(%dma_start3A_72 : memref<512x1000xf32, #tpu.memory_space<vmem>>) target_semaphore(%dma_start3A_68 : memref<!tpu.dma_semaphore, #tpu.memory_space<semaphore_mem>>)
    %dma_start3A_76 = arith.constant 7 : i32
    %dma_start3A_77 = arith.constant 7 : i32
    %dma_start3A_78 = tpu.memref_slice %arg6[%dma_start3A_77] : memref<8x!tpu.dma_semaphore, #tpu.memory_space<semaphore_mem>> -> memref<1x!tpu.dma_semaphore, #tpu.memory_space<semaphore_mem>>
    %dma_start3A_79 = tpu.memref_squeeze %dma_start3A_78 : memref<1x!tpu.dma_semaphore, #tpu.memory_space<semaphore_mem>> -> memref<!tpu.dma_semaphore, #tpu.memory_space<semaphore_mem>>
    %dma_start3A_80 = arith.constant 0 : i32
    %dma_start3A_81 = arith.constant 0 : i32
    %dma_start3A_82 = tpu.memref_slice %arg5[%dma_start3A_76, %dma_start3A_80, %dma_start3A_81] : memref<8x512x1000xf32, #tpu.memory_space<vmem>> -> memref<1x512x1000xf32, #tpu.memory_space<vmem>>
    %dma_start3A_83 = tpu.memref_squeeze %dma_start3A_82 : memref<1x512x1000xf32, #tpu.memory_space<vmem>> -> memref<512x1000xf32, #tpu.memory_space<vmem>>
    %dma_start3A_84 = arith.constant 3584 : i32
    %dma_start3A_85 = arith.constant 0 : i32
    %dma_start3A_86 = tpu.memref_slice %arg3[%dma_start3A_84, %dma_start3A_85] : memref<4096x1000xf32, #tpu.memory_space<any>> -> memref<512x1000xf32, #tpu.memory_space<any>>
    tpu.enqueue_dma source(%dma_start3A_86 : memref<512x1000xf32, #tpu.memory_space<any>>) target(%dma_start3A_83 : memref<512x1000xf32, #tpu.memory_space<vmem>>) target_semaphore(%dma_start3A_79 : memref<!tpu.dma_semaphore, #tpu.memory_space<semaphore_mem>>)
    %dma_wait3A = arith.constant 0 : i32
    %dma_wait3A_87 = arith.constant 0 : i32
    %dma_wait3A_88 = tpu.memref_slice %arg6[%dma_wait3A_87] : memref<8x!tpu.dma_semaphore, #tpu.memory_space<semaphore_mem>> -> memref<1x!tpu.dma_semaphore, #tpu.memory_space<semaphore_mem>>
    %dma_wait3A_89 = tpu.memref_squeeze %dma_wait3A_88 : memref<1x!tpu.dma_semaphore, #tpu.memory_space<semaphore_mem>> -> memref<!tpu.dma_semaphore, #tpu.memory_space<semaphore_mem>>
    %dma_wait3A_90 = arith.constant 0 : i32
    %dma_wait3A_91 = arith.constant 0 : i32
    %dma_wait3A_92 = tpu.memref_slice %arg5[%dma_wait3A, %dma_wait3A_90, %dma_wait3A_91] : memref<8x512x1000xf32, #tpu.memory_space<vmem>> -> memref<1x512x1000xf32, #tpu.memory_space<vmem>>
    %dma_wait3A_93 = tpu.memref_squeeze %dma_wait3A_92 : memref<1x512x1000xf32, #tpu.memory_space<vmem>> -> memref<512x1000xf32, #tpu.memory_space<vmem>>
    %dma_wait3A_94 = arith.constant 0 : i32
    %dma_wait3A_95 = arith.constant 0 : i32
    %dma_wait3A_96 = tpu.memref_slice %arg3[%dma_wait3A_94, %dma_wait3A_95] : memref<4096x1000xf32, #tpu.memory_space<any>> -> memref<512x1000xf32, #tpu.memory_space<any>>
    tpu.wait_dma2 semaphore(%dma_wait3A_89 : memref<!tpu.dma_semaphore, #tpu.memory_space<semaphore_mem>>) src(%dma_wait3A_96 : memref<512x1000xf32, #tpu.memory_space<any>>) dst(%dma_wait3A_93 : memref<512x1000xf32, #tpu.memory_space<vmem>>)
    %get3A = arith.constant 0 : index
    %get3A_97 = arith.constant 0 : index
    %get3A_98 = vector.load %arg0[%get3A, %get3A_97] : memref<128x2048xf32, #tpu.memory_space<vmem>>, vector<128x512xf32>
    %get3A_99 = arith.constant 0 : index
    %get3A_100 = arith.constant 0 : index
    %get3A_101 = arith.constant 0 : index
    %get3A_102 = vector.load %arg5[%get3A_99, %get3A_100, %get3A_101] : memref<8x512x1000xf32, #tpu.memory_space<vmem>>, vector<1x512x1000xf32>
    %get3A_103 = vector.shape_cast %get3A_102 : vector<1x512x1000xf32> to vector<512x1000xf32>
    %dot_general3A = arith.constant dense<0.000000e+00> : vector<128x1000xf32>
    %dot_general3A_104 = tpu.matmul %get3A_98, %get3A_103, %dot_general3A {dimension_numbers = #tpu.dot_dimension_numbers<[1], [0], [0], [1], [0, 0, 1, 1], [], []>, transpose_lhs_hint = false} : vector<128x512xf32>, vector<512x1000xf32>, vector<128x1000xf32> -> vector<128x1000xf32>
    %dma_wait3A_105 = arith.constant 1 : i32
    %dma_wait3A_106 = arith.constant 1 : i32
    %dma_wait3A_107 = tpu.memref_slice %arg6[%dma_wait3A_106] : memref<8x!tpu.dma_semaphore, #tpu.memory_space<semaphore_mem>> -> memref<1x!tpu.dma_semaphore, #tpu.memory_space<semaphore_mem>>
    %dma_wait3A_108 = tpu.memref_squeeze %dma_wait3A_107 : memref<1x!tpu.dma_semaphore, #tpu.memory_space<semaphore_mem>> -> memref<!tpu.dma_semaphore, #tpu.memory_space<semaphore_mem>>
    %dma_wait3A_109 = arith.constant 0 : i32
    %dma_wait3A_110 = arith.constant 0 : i32
    %dma_wait3A_111 = tpu.memref_slice %arg5[%dma_wait3A_105, %dma_wait3A_109, %dma_wait3A_110] : memref<8x512x1000xf32, #tpu.memory_space<vmem>> -> memref<1x512x1000xf32, #tpu.memory_space<vmem>>
    %dma_wait3A_112 = tpu.memref_squeeze %dma_wait3A_111 : memref<1x512x1000xf32, #tpu.memory_space<vmem>> -> memref<512x1000xf32, #tpu.memory_space<vmem>>
    %dma_wait3A_113 = arith.constant 512 : i32
    %dma_wait3A_114 = arith.constant 0 : i32
    %dma_wait3A_115 = tpu.memref_slice %arg3[%dma_wait3A_113, %dma_wait3A_114] : memref<4096x1000xf32, #tpu.memory_space<any>> -> memref<512x1000xf32, #tpu.memory_space<any>>
    tpu.wait_dma2 semaphore(%dma_wait3A_108 : memref<!tpu.dma_semaphore, #tpu.memory_space<semaphore_mem>>) src(%dma_wait3A_115 : memref<512x1000xf32, #tpu.memory_space<any>>) dst(%dma_wait3A_112 : memref<512x1000xf32, #tpu.memory_space<vmem>>)
    %get3A_116 = arith.constant 0 : index
    %get3A_117 = arith.constant 512 : index
    %get3A_118 = vector.load %arg0[%get3A_116, %get3A_117] : memref<128x2048xf32, #tpu.memory_space<vmem>>, vector<128x512xf32>
    %get3A_119 = arith.constant 1 : index
    %get3A_120 = arith.constant 0 : index
    %get3A_121 = arith.constant 0 : index
    %get3A_122 = vector.load %arg5[%get3A_119, %get3A_120, %get3A_121] : memref<8x512x1000xf32, #tpu.memory_space<vmem>>, vector<1x512x1000xf32>
    %get3A_123 = vector.shape_cast %get3A_122 : vector<1x512x1000xf32> to vector<512x1000xf32>
    %dot_general3A_124 = arith.constant dense<0.000000e+00> : vector<128x1000xf32>
    %dot_general3A_125 = tpu.matmul %get3A_118, %get3A_123, %dot_general3A_124 {dimension_numbers = #tpu.dot_dimension_numbers<[1], [0], [0], [1], [0, 0, 1, 1], [], []>, transpose_lhs_hint = false} : vector<128x512xf32>, vector<512x1000xf32>, vector<128x1000xf32> -> vector<128x1000xf32>
    %add3A = arith.addf %dot_general3A_104, %dot_general3A_125 : vector<128x1000xf32>
    %dma_wait3A_126 = arith.constant 2 : i32
    %dma_wait3A_127 = arith.constant 2 : i32
    %dma_wait3A_128 = tpu.memref_slice %arg6[%dma_wait3A_127] : memref<8x!tpu.dma_semaphore, #tpu.memory_space<semaphore_mem>> -> memref<1x!tpu.dma_semaphore, #tpu.memory_space<semaphore_mem>>
    %dma_wait3A_129 = tpu.memref_squeeze %dma_wait3A_128 : memref<1x!tpu.dma_semaphore, #tpu.memory_space<semaphore_mem>> -> memref<!tpu.dma_semaphore, #tpu.memory_space<semaphore_mem>>
    %dma_wait3A_130 = arith.constant 0 : i32
    %dma_wait3A_131 = arith.constant 0 : i32
    %dma_wait3A_132 = tpu.memref_slice %arg5[%dma_wait3A_126, %dma_wait3A_130, %dma_wait3A_131] : memref<8x512x1000xf32, #tpu.memory_space<vmem>> -> memref<1x512x1000xf32, #tpu.memory_space<vmem>>
    %dma_wait3A_133 = tpu.memref_squeeze %dma_wait3A_132 : memref<1x512x1000xf32, #tpu.memory_space<vmem>> -> memref<512x1000xf32, #tpu.memory_space<vmem>>
    %dma_wait3A_134 = arith.constant 1024 : i32
    %dma_wait3A_135 = arith.constant 0 : i32
    %dma_wait3A_136 = tpu.memref_slice %arg3[%dma_wait3A_134, %dma_wait3A_135] : memref<4096x1000xf32, #tpu.memory_space<any>> -> memref<512x1000xf32, #tpu.memory_space<any>>
    tpu.wait_dma2 semaphore(%dma_wait3A_129 : memref<!tpu.dma_semaphore, #tpu.memory_space<semaphore_mem>>) src(%dma_wait3A_136 : memref<512x1000xf32, #tpu.memory_space<any>>) dst(%dma_wait3A_133 : memref<512x1000xf32, #tpu.memory_space<vmem>>)
    %get3A_137 = arith.constant 0 : index
    %get3A_138 = arith.constant 1024 : index
    %get3A_139 = vector.load %arg0[%get3A_137, %get3A_138] : memref<128x2048xf32, #tpu.memory_space<vmem>>, vector<128x512xf32>
    %get3A_140 = arith.constant 2 : index
    %get3A_141 = arith.constant 0 : index
    %get3A_142 = arith.constant 0 : index
    %get3A_143 = vector.load %arg5[%get3A_140, %get3A_141, %get3A_142] : memref<8x512x1000xf32, #tpu.memory_space<vmem>>, vector<1x512x1000xf32>
    %get3A_144 = vector.shape_cast %get3A_143 : vector<1x512x1000xf32> to vector<512x1000xf32>
    %dot_general3A_145 = arith.constant dense<0.000000e+00> : vector<128x1000xf32>
    %dot_general3A_146 = tpu.matmul %get3A_139, %get3A_144, %dot_general3A_145 {dimension_numbers = #tpu.dot_dimension_numbers<[1], [0], [0], [1], [0, 0, 1, 1], [], []>, transpose_lhs_hint = false} : vector<128x512xf32>, vector<512x1000xf32>, vector<128x1000xf32> -> vector<128x1000xf32>
    %add3A_147 = arith.addf %add3A, %dot_general3A_146 : vector<128x1000xf32>
    %dma_wait3A_148 = arith.constant 3 : i32
    %dma_wait3A_149 = arith.constant 3 : i32
    %dma_wait3A_150 = tpu.memref_slice %arg6[%dma_wait3A_149] : memref<8x!tpu.dma_semaphore, #tpu.memory_space<semaphore_mem>> -> memref<1x!tpu.dma_semaphore, #tpu.memory_space<semaphore_mem>>
    %dma_wait3A_151 = tpu.memref_squeeze %dma_wait3A_150 : memref<1x!tpu.dma_semaphore, #tpu.memory_space<semaphore_mem>> -> memref<!tpu.dma_semaphore, #tpu.memory_space<semaphore_mem>>
    %dma_wait3A_152 = arith.constant 0 : i32
    %dma_wait3A_153 = arith.constant 0 : i32
    %dma_wait3A_154 = tpu.memref_slice %arg5[%dma_wait3A_148, %dma_wait3A_152, %dma_wait3A_153] : memref<8x512x1000xf32, #tpu.memory_space<vmem>> -> memref<1x512x1000xf32, #tpu.memory_space<vmem>>
    %dma_wait3A_155 = tpu.memref_squeeze %dma_wait3A_154 : memref<1x512x1000xf32, #tpu.memory_space<vmem>> -> memref<512x1000xf32, #tpu.memory_space<vmem>>
    %dma_wait3A_156 = arith.constant 1536 : i32
    %dma_wait3A_157 = arith.constant 0 : i32
    %dma_wait3A_158 = tpu.memref_slice %arg3[%dma_wait3A_156, %dma_wait3A_157] : memref<4096x1000xf32, #tpu.memory_space<any>> -> memref<512x1000xf32, #tpu.memory_space<any>>
    tpu.wait_dma2 semaphore(%dma_wait3A_151 : memref<!tpu.dma_semaphore, #tpu.memory_space<semaphore_mem>>) src(%dma_wait3A_158 : memref<512x1000xf32, #tpu.memory_space<any>>) dst(%dma_wait3A_155 : memref<512x1000xf32, #tpu.memory_space<vmem>>)
    %get3A_159 = arith.constant 0 : index
    %get3A_160 = arith.constant 1536 : index
    %get3A_161 = vector.load %arg0[%get3A_159, %get3A_160] : memref<128x2048xf32, #tpu.memory_space<vmem>>, vector<128x512xf32>
    %get3A_162 = arith.constant 3 : index
    %get3A_163 = arith.constant 0 : index
    %get3A_164 = arith.constant 0 : index
    %get3A_165 = vector.load %arg5[%get3A_162, %get3A_163, %get3A_164] : memref<8x512x1000xf32, #tpu.memory_space<vmem>>, vector<1x512x1000xf32>
    %get3A_166 = vector.shape_cast %get3A_165 : vector<1x512x1000xf32> to vector<512x1000xf32>
    %dot_general3A_167 = arith.constant dense<0.000000e+00> : vector<128x1000xf32>
    %dot_general3A_168 = tpu.matmul %get3A_161, %get3A_166, %dot_general3A_167 {dimension_numbers = #tpu.dot_dimension_numbers<[1], [0], [0], [1], [0, 0, 1, 1], [], []>, transpose_lhs_hint = false} : vector<128x512xf32>, vector<512x1000xf32>, vector<128x1000xf32> -> vector<128x1000xf32>
    %add3A_169 = arith.addf %add3A_147, %dot_general3A_168 : vector<128x1000xf32>
    %dma_wait3A_170 = arith.constant 4 : i32
    %dma_wait3A_171 = arith.constant 4 : i32
    %dma_wait3A_172 = tpu.memref_slice %arg6[%dma_wait3A_171] : memref<8x!tpu.dma_semaphore, #tpu.memory_space<semaphore_mem>> -> memref<1x!tpu.dma_semaphore, #tpu.memory_space<semaphore_mem>>
    %dma_wait3A_173 = tpu.memref_squeeze %dma_wait3A_172 : memref<1x!tpu.dma_semaphore, #tpu.memory_space<semaphore_mem>> -> memref<!tpu.dma_semaphore, #tpu.memory_space<semaphore_mem>>
    %dma_wait3A_174 = arith.constant 0 : i32
    %dma_wait3A_175 = arith.constant 0 : i32
    %dma_wait3A_176 = tpu.memref_slice %arg5[%dma_wait3A_170, %dma_wait3A_174, %dma_wait3A_175] : memref<8x512x1000xf32, #tpu.memory_space<vmem>> -> memref<1x512x1000xf32, #tpu.memory_space<vmem>>
    %dma_wait3A_177 = tpu.memref_squeeze %dma_wait3A_176 : memref<1x512x1000xf32, #tpu.memory_space<vmem>> -> memref<512x1000xf32, #tpu.memory_space<vmem>>
    %dma_wait3A_178 = arith.constant 2048 : i32
    %dma_wait3A_179 = arith.constant 0 : i32
    %dma_wait3A_180 = tpu.memref_slice %arg3[%dma_wait3A_178, %dma_wait3A_179] : memref<4096x1000xf32, #tpu.memory_space<any>> -> memref<512x1000xf32, #tpu.memory_space<any>>
    tpu.wait_dma2 semaphore(%dma_wait3A_173 : memref<!tpu.dma_semaphore, #tpu.memory_space<semaphore_mem>>) src(%dma_wait3A_180 : memref<512x1000xf32, #tpu.memory_space<any>>) dst(%dma_wait3A_177 : memref<512x1000xf32, #tpu.memory_space<vmem>>)
    %get3A_181 = arith.constant 0 : index
    %get3A_182 = arith.constant 0 : index
    %get3A_183 = vector.load %arg0[%get3A_181, %get3A_182] : memref<128x2048xf32, #tpu.memory_space<vmem>>, vector<128x512xf32>
    %get3A_184 = arith.constant 4 : index
    %get3A_185 = arith.constant 0 : index
    %get3A_186 = arith.constant 0 : index
    %get3A_187 = vector.load %arg5[%get3A_184, %get3A_185, %get3A_186] : memref<8x512x1000xf32, #tpu.memory_space<vmem>>, vector<1x512x1000xf32>
    %get3A_188 = vector.shape_cast %get3A_187 : vector<1x512x1000xf32> to vector<512x1000xf32>
    %dot_general3A_189 = arith.constant dense<0.000000e+00> : vector<128x1000xf32>
    %dot_general3A_190 = tpu.matmul %get3A_183, %get3A_188, %dot_general3A_189 {dimension_numbers = #tpu.dot_dimension_numbers<[1], [0], [0], [1], [0, 0, 1, 1], [], []>, transpose_lhs_hint = false} : vector<128x512xf32>, vector<512x1000xf32>, vector<128x1000xf32> -> vector<128x1000xf32>
    %add3A_191 = arith.addf %add3A_169, %dot_general3A_190 : vector<128x1000xf32>
    %dma_wait3A_192 = arith.constant 5 : i32
    %dma_wait3A_193 = arith.constant 5 : i32
    %dma_wait3A_194 = tpu.memref_slice %arg6[%dma_wait3A_193] : memref<8x!tpu.dma_semaphore, #tpu.memory_space<semaphore_mem>> -> memref<1x!tpu.dma_semaphore, #tpu.memory_space<semaphore_mem>>
    %dma_wait3A_195 = tpu.memref_squeeze %dma_wait3A_194 : memref<1x!tpu.dma_semaphore, #tpu.memory_space<semaphore_mem>> -> memref<!tpu.dma_semaphore, #tpu.memory_space<semaphore_mem>>
    %dma_wait3A_196 = arith.constant 0 : i32
    %dma_wait3A_197 = arith.constant 0 : i32
    %dma_wait3A_198 = tpu.memref_slice %arg5[%dma_wait3A_192, %dma_wait3A_196, %dma_wait3A_197] : memref<8x512x1000xf32, #tpu.memory_space<vmem>> -> memref<1x512x1000xf32, #tpu.memory_space<vmem>>
    %dma_wait3A_199 = tpu.memref_squeeze %dma_wait3A_198 : memref<1x512x1000xf32, #tpu.memory_space<vmem>> -> memref<512x1000xf32, #tpu.memory_space<vmem>>
    %dma_wait3A_200 = arith.constant 2560 : i32
    %dma_wait3A_201 = arith.constant 0 : i32
    %dma_wait3A_202 = tpu.memref_slice %arg3[%dma_wait3A_200, %dma_wait3A_201] : memref<4096x1000xf32, #tpu.memory_space<any>> -> memref<512x1000xf32, #tpu.memory_space<any>>
    tpu.wait_dma2 semaphore(%dma_wait3A_195 : memref<!tpu.dma_semaphore, #tpu.memory_space<semaphore_mem>>) src(%dma_wait3A_202 : memref<512x1000xf32, #tpu.memory_space<any>>) dst(%dma_wait3A_199 : memref<512x1000xf32, #tpu.memory_space<vmem>>)
    %get3A_203 = arith.constant 0 : index
    %get3A_204 = arith.constant 512 : index
    %get3A_205 = vector.load %arg0[%get3A_203, %get3A_204] : memref<128x2048xf32, #tpu.memory_space<vmem>>, vector<128x512xf32>
    %get3A_206 = arith.constant 5 : index
    %get3A_207 = arith.constant 0 : index
    %get3A_208 = arith.constant 0 : index
    %get3A_209 = vector.load %arg5[%get3A_206, %get3A_207, %get3A_208] : memref<8x512x1000xf32, #tpu.memory_space<vmem>>, vector<1x512x1000xf32>
    %get3A_210 = vector.shape_cast %get3A_209 : vector<1x512x1000xf32> to vector<512x1000xf32>
    %dot_general3A_211 = arith.constant dense<0.000000e+00> : vector<128x1000xf32>
    %dot_general3A_212 = tpu.matmul %get3A_205, %get3A_210, %dot_general3A_211 {dimension_numbers = #tpu.dot_dimension_numbers<[1], [0], [0], [1], [0, 0, 1, 1], [], []>, transpose_lhs_hint = false} : vector<128x512xf32>, vector<512x1000xf32>, vector<128x1000xf32> -> vector<128x1000xf32>
    %add3A_213 = arith.addf %add3A_191, %dot_general3A_212 : vector<128x1000xf32>
    %dma_wait3A_214 = arith.constant 6 : i32
    %dma_wait3A_215 = arith.constant 6 : i32
    %dma_wait3A_216 = tpu.memref_slice %arg6[%dma_wait3A_215] : memref<8x!tpu.dma_semaphore, #tpu.memory_space<semaphore_mem>> -> memref<1x!tpu.dma_semaphore, #tpu.memory_space<semaphore_mem>>
    %dma_wait3A_217 = tpu.memref_squeeze %dma_wait3A_216 : memref<1x!tpu.dma_semaphore, #tpu.memory_space<semaphore_mem>> -> memref<!tpu.dma_semaphore, #tpu.memory_space<semaphore_mem>>
    %dma_wait3A_218 = arith.constant 0 : i32
    %dma_wait3A_219 = arith.constant 0 : i32
    %dma_wait3A_220 = tpu.memref_slice %arg5[%dma_wait3A_214, %dma_wait3A_218, %dma_wait3A_219] : memref<8x512x1000xf32, #tpu.memory_space<vmem>> -> memref<1x512x1000xf32, #tpu.memory_space<vmem>>
    %dma_wait3A_221 = tpu.memref_squeeze %dma_wait3A_220 : memref<1x512x1000xf32, #tpu.memory_space<vmem>> -> memref<512x1000xf32, #tpu.memory_space<vmem>>
    %dma_wait3A_222 = arith.constant 3072 : i32
    %dma_wait3A_223 = arith.constant 0 : i32
    %dma_wait3A_224 = tpu.memref_slice %arg3[%dma_wait3A_222, %dma_wait3A_223] : memref<4096x1000xf32, #tpu.memory_space<any>> -> memref<512x1000xf32, #tpu.memory_space<any>>
    tpu.wait_dma2 semaphore(%dma_wait3A_217 : memref<!tpu.dma_semaphore, #tpu.memory_space<semaphore_mem>>) src(%dma_wait3A_224 : memref<512x1000xf32, #tpu.memory_space<any>>) dst(%dma_wait3A_221 : memref<512x1000xf32, #tpu.memory_space<vmem>>)
    %get3A_225 = arith.constant 0 : index
    %get3A_226 = arith.constant 1024 : index
    %get3A_227 = vector.load %arg0[%get3A_225, %get3A_226] : memref<128x2048xf32, #tpu.memory_space<vmem>>, vector<128x512xf32>
    %get3A_228 = arith.constant 6 : index
    %get3A_229 = arith.constant 0 : index
    %get3A_230 = arith.constant 0 : index
    %get3A_231 = vector.load %arg5[%get3A_228, %get3A_229, %get3A_230] : memref<8x512x1000xf32, #tpu.memory_space<vmem>>, vector<1x512x1000xf32>
    %get3A_232 = vector.shape_cast %get3A_231 : vector<1x512x1000xf32> to vector<512x1000xf32>
    %dot_general3A_233 = arith.constant dense<0.000000e+00> : vector<128x1000xf32>
    %dot_general3A_234 = tpu.matmul %get3A_227, %get3A_232, %dot_general3A_233 {dimension_numbers = #tpu.dot_dimension_numbers<[1], [0], [0], [1], [0, 0, 1, 1], [], []>, transpose_lhs_hint = false} : vector<128x512xf32>, vector<512x1000xf32>, vector<128x1000xf32> -> vector<128x1000xf32>
    %add3A_235 = arith.addf %add3A_213, %dot_general3A_234 : vector<128x1000xf32>
    %dma_wait3A_236 = arith.constant 7 : i32
    %dma_wait3A_237 = arith.constant 7 : i32
    %dma_wait3A_238 = tpu.memref_slice %arg6[%dma_wait3A_237] : memref<8x!tpu.dma_semaphore, #tpu.memory_space<semaphore_mem>> -> memref<1x!tpu.dma_semaphore, #tpu.memory_space<semaphore_mem>>
    %dma_wait3A_239 = tpu.memref_squeeze %dma_wait3A_238 : memref<1x!tpu.dma_semaphore, #tpu.memory_space<semaphore_mem>> -> memref<!tpu.dma_semaphore, #tpu.memory_space<semaphore_mem>>
    %dma_wait3A_240 = arith.constant 0 : i32
    %dma_wait3A_241 = arith.constant 0 : i32
    %dma_wait3A_242 = tpu.memref_slice %arg5[%dma_wait3A_236, %dma_wait3A_240, %dma_wait3A_241] : memref<8x512x1000xf32, #tpu.memory_space<vmem>> -> memref<1x512x1000xf32, #tpu.memory_space<vmem>>
    %dma_wait3A_243 = tpu.memref_squeeze %dma_wait3A_242 : memref<1x512x1000xf32, #tpu.memory_space<vmem>> -> memref<512x1000xf32, #tpu.memory_space<vmem>>
    %dma_wait3A_244 = arith.constant 3584 : i32
    %dma_wait3A_245 = arith.constant 0 : i32
    %dma_wait3A_246 = tpu.memref_slice %arg3[%dma_wait3A_244, %dma_wait3A_245] : memref<4096x1000xf32, #tpu.memory_space<any>> -> memref<512x1000xf32, #tpu.memory_space<any>>
    tpu.wait_dma2 semaphore(%dma_wait3A_239 : memref<!tpu.dma_semaphore, #tpu.memory_space<semaphore_mem>>) src(%dma_wait3A_246 : memref<512x1000xf32, #tpu.memory_space<any>>) dst(%dma_wait3A_243 : memref<512x1000xf32, #tpu.memory_space<vmem>>)
    %get3A_247 = arith.constant 0 : index
    %get3A_248 = arith.constant 1536 : index
    %get3A_249 = vector.load %arg0[%get3A_247, %get3A_248] : memref<128x2048xf32, #tpu.memory_space<vmem>>, vector<128x512xf32>
    %get3A_250 = arith.constant 7 : index
    %get3A_251 = arith.constant 0 : index
    %get3A_252 = arith.constant 0 : index
    %get3A_253 = vector.load %arg5[%get3A_250, %get3A_251, %get3A_252] : memref<8x512x1000xf32, #tpu.memory_space<vmem>>, vector<1x512x1000xf32>
    %get3A_254 = vector.shape_cast %get3A_253 : vector<1x512x1000xf32> to vector<512x1000xf32>
    %dot_general3A_255 = arith.constant dense<0.000000e+00> : vector<128x1000xf32>
    %dot_general3A_256 = tpu.matmul %get3A_249, %get3A_254, %dot_general3A_255 {dimension_numbers = #tpu.dot_dimension_numbers<[1], [0], [0], [1], [0, 0, 1, 1], [], []>, transpose_lhs_hint = false} : vector<128x512xf32>, vector<512x1000xf32>, vector<128x1000xf32> -> vector<128x1000xf32>
    %add3A_257 = arith.addf %add3A_235, %dot_general3A_256 : vector<128x1000xf32>
    %get3A_258 = arith.constant 0 : index
    %get3A_259 = arith.constant 0 : index
    %get3A_260 = vector.load %arg1[%get3A_258, %get3A_259] : memref<1x1000xf32, #tpu.memory_space<vmem>>, vector<1x1000xf32>
    %add3A_261 = vector.broadcast %get3A_260 : vector<1x1000xf32> to vector<128x1000xf32>
    %add3A_262 = arith.addf %add3A_257, %add3A_261 : vector<128x1000xf32>
    %get3A_263 = arith.constant 0 : index
    %get3A_264 = arith.constant 0 : index
    %get3A_265 = vector.load %arg2[%get3A_263, %get3A_264] : memref<128x1000xf32, #tpu.memory_space<vmem>>, vector<128x1000xf32>
    %add3A_266 = arith.addf %add3A_262, %get3A_265 : vector<128x1000xf32>
    %slice3A = vector.extract_strided_slice %add3A_262 {offsets = [0, 0], sizes = [128, 125], strides = [1, 1]} : vector<128x1000xf32> to vector<128x125xf32>
    %slice3A_267 = vector.extract_strided_slice %add3A_266 {offsets = [0, 0], sizes = [128, 125], strides = [1, 1]} : vector<128x1000xf32> to vector<128x125xf32>
    %reduce_max3A = arith.constant dense<0xFF800000> : vector<128xf32>
    %reduce_max3A_268 = vector.multi_reduction <maximumf>, %slice3A, %reduce_max3A [1] : vector<128x125xf32> to vector<128xf32>
    %broadcast_in_dim3A = vector.shape_cast %reduce_max3A_268 : vector<128xf32> to vector<128x1xf32>
    %sub3A = vector.broadcast %broadcast_in_dim3A : vector<128x1xf32> to vector<128x125xf32>
    %sub3A_269 = arith.subf %slice3A, %sub3A : vector<128x125xf32>
    %exp3A = math.exp %sub3A_269 : vector<128x125xf32>
    %reduce_sum3A = arith.constant dense<0.000000e+00> : vector<128xf32>
    %reduce_sum3A_270 = vector.multi_reduction <add>, %exp3A, %reduce_sum3A [1] : vector<128x125xf32> to vector<128xf32>
    %broadcast_in_dim3A_271 = vector.shape_cast %reduce_sum3A_270 : vector<128xf32> to vector<128x1xf32>
    %mul3A = arith.mulf %slice3A, %exp3A : vector<128x125xf32>
    %reduce_sum3A_272 = arith.constant dense<0.000000e+00> : vector<128xf32>
    %reduce_sum3A_273 = vector.multi_reduction <add>, %mul3A, %reduce_sum3A_272 [1] : vector<128x125xf32> to vector<128xf32>
    %broadcast_in_dim3A_274 = vector.shape_cast %reduce_sum3A_273 : vector<128xf32> to vector<128x1xf32>
    %reduce_max3A_275 = arith.constant dense<0xFF800000> : vector<128xf32>
    %reduce_max3A_276 = vector.multi_reduction <maximumf>, %slice3A_267, %reduce_max3A_275 [1] : vector<128x125xf32> to vector<128xf32>
    %broadcast_in_dim3A_277 = vector.shape_cast %reduce_max3A_276 : vector<128xf32> to vector<128x1xf32>
    %iota3A = tpu.iota {dimensions = array<i32: 1>} : vector<128x125xi32>
    %add3A_278 = arith.constant 0 : i32
    %add3A_279 = vector.broadcast %add3A_278 : i32 to vector<128x125xi32>
    %add3A_280 = arith.addi %add3A_279, %iota3A : vector<128x125xi32>
    %eq3A = vector.broadcast %broadcast_in_dim3A_277 : vector<128x1xf32> to vector<128x125xf32>
    %eq3A_281 = arith.cmpf oeq, %slice3A_267, %eq3A : vector<128x125xf32>
    %jit3A = arith.constant 1073741824 : i32
    %broadcast_in_dim3A_282 = vector.broadcast %jit3A : i32 to vector<128x125xi32>
    %select_n3A = arith.select %eq3A_281, %add3A_280, %broadcast_in_dim3A_282 : vector<128x125xi1>, vector<128x125xi32>
    %reduce_min3A = arith.constant dense<2147483647> : vector<128xi32>
    %reduce_min3A_283 = vector.multi_reduction <minsi>, %select_n3A, %reduce_min3A [1] : vector<128x125xi32> to vector<128xi32>
    %broadcast_in_dim3A_284 = vector.shape_cast %reduce_min3A_283 : vector<128xi32> to vector<128x1xi32>
    %eq3A_285 = vector.broadcast %broadcast_in_dim3A_284 : vector<128x1xi32> to vector<128x125xi32>
    %eq3A_286 = arith.cmpi eq, %add3A_280, %eq3A_285 : vector<128x125xi32>
    %jit3A_287 = arith.constant 0.000000e+00 : f32
    %broadcast_in_dim3A_288 = vector.broadcast %jit3A_287 : f32 to vector<128x125xf32>
    %select_n3A_289 = arith.select %eq3A_286, %slice3A, %broadcast_in_dim3A_288 : vector<128x125xi1>, vector<128x125xf32>
    %reduce_sum3A_290 = arith.constant dense<0.000000e+00> : vector<128xf32>
    %reduce_sum3A_291 = vector.multi_reduction <add>, %select_n3A_289, %reduce_sum3A_290 [1] : vector<128x125xf32> to vector<128xf32>
    %broadcast_in_dim3A_292 = vector.shape_cast %reduce_sum3A_291 : vector<128xf32> to vector<128x1xf32>
    %squeeze3A = vector.shape_cast %broadcast_in_dim3A : vector<128x1xf32> to vector<128xf32>
    %swap3A = arith.constant 0 : index
    %swap3A_293 = arith.constant 0 : index
    %swap3A_294 = arith.constant 0 : index
    %swap3A_295 = vector.load %arg4[%swap3A, %swap3A_293, %swap3A_294] : memref<8x8x128xf32, #tpu.memory_space<vmem>>, vector<1x1x128xf32>
    %swap3A_296 = vector.shape_cast %swap3A_295 : vector<1x1x128xf32> to vector<128xf32>
    %swap3A_297 = vector.shape_cast %squeeze3A : vector<128xf32> to vector<1x1x128xf32>
    tpu.vector_store %arg4[%swap3A, %swap3A_293, %swap3A_294], %swap3A_297 {strides = array<i32>} : memref<8x8x128xf32, #tpu.memory_space<vmem>>, vector<1x1x128xf32>,
    %squeeze3A_298 = vector.shape_cast %broadcast_in_dim3A_271 : vector<128x1xf32> to vector<128xf32>
    %swap3A_299 = arith.constant 0 : index
    %swap3A_300 = arith.constant 1 : index
    %swap3A_301 = arith.constant 0 : index
    %swap3A_302 = vector.load %arg4[%swap3A_299, %swap3A_300, %swap3A_301] : memref<8x8x128xf32, #tpu.memory_space<vmem>>, vector<1x1x128xf32>
    %swap3A_303 = vector.shape_cast %swap3A_302 : vector<1x1x128xf32> to vector<128xf32>
    %swap3A_304 = vector.shape_cast %squeeze3A_298 : vector<128xf32> to vector<1x1x128xf32>
    tpu.vector_store %arg4[%swap3A_299, %swap3A_300, %swap3A_301], %swap3A_304 {strides = array<i32>} : memref<8x8x128xf32, #tpu.memory_space<vmem>>, vector<1x1x128xf32>,
    %squeeze3A_305 = vector.shape_cast %broadcast_in_dim3A_274 : vector<128x1xf32> to vector<128xf32>
    %swap3A_306 = arith.constant 0 : index
    %swap3A_307 = arith.constant 2 : index
    %swap3A_308 = arith.constant 0 : index
    %swap3A_309 = vector.load %arg4[%swap3A_306, %swap3A_307, %swap3A_308] : memref<8x8x128xf32, #tpu.memory_space<vmem>>, vector<1x1x128xf32>
    %swap3A_310 = vector.shape_cast %swap3A_309 : vector<1x1x128xf32> to vector<128xf32>
    %swap3A_311 = vector.shape_cast %squeeze3A_305 : vector<128xf32> to vector<1x1x128xf32>
    tpu.vector_store %arg4[%swap3A_306, %swap3A_307, %swap3A_308], %swap3A_311 {strides = array<i32>} : memref<8x8x128xf32, #tpu.memory_space<vmem>>, vector<1x1x128xf32>,
    %squeeze3A_312 = vector.shape_cast %broadcast_in_dim3A_277 : vector<128x1xf32> to vector<128xf32>
    %swap3A_313 = arith.constant 0 : index
    %swap3A_314 = arith.constant 3 : index
    %swap3A_315 = arith.constant 0 : index
    %swap3A_316 = vector.load %arg4[%swap3A_313, %swap3A_314, %swap3A_315] : memref<8x8x128xf32, #tpu.memory_space<vmem>>, vector<1x1x128xf32>
    %swap3A_317 = vector.shape_cast %swap3A_316 : vector<1x1x128xf32> to vector<128xf32>
    %swap3A_318 = vector.shape_cast %squeeze3A_312 : vector<128xf32> to vector<1x1x128xf32>
    tpu.vector_store %arg4[%swap3A_313, %swap3A_314, %swap3A_315], %swap3A_318 {strides = array<i32>} : memref<8x8x128xf32, #tpu.memory_space<vmem>>, vector<1x1x128xf32>,
    %squeeze3A_319 = vector.shape_cast %broadcast_in_dim3A_292 : vector<128x1xf32> to vector<128xf32>
    %swap3A_320 = arith.constant 0 : index
    %swap3A_321 = arith.constant 4 : index
    %swap3A_322 = arith.constant 0 : index
    %swap3A_323 = vector.load %arg4[%swap3A_320, %swap3A_321, %swap3A_322] : memref<8x8x128xf32, #tpu.memory_space<vmem>>, vector<1x1x128xf32>
    %swap3A_324 = vector.shape_cast %swap3A_323 : vector<1x1x128xf32> to vector<128xf32>
    %swap3A_325 = vector.shape_cast %squeeze3A_319 : vector<128xf32> to vector<1x1x128xf32>
    tpu.vector_store %arg4[%swap3A_320, %swap3A_321, %swap3A_322], %swap3A_325 {strides = array<i32>} : memref<8x8x128xf32, #tpu.memory_space<vmem>>, vector<1x1x128xf32>,
    %squeeze3A_326 = vector.shape_cast %broadcast_in_dim3A_284 : vector<128x1xi32> to vector<128xi32>
    %convert_element_type3A = arith.sitofp %squeeze3A_326 : vector<128xi32> to vector<128xf32>
    %swap3A_327 = arith.constant 0 : index
    %swap3A_328 = arith.constant 5 : index
    %swap3A_329 = arith.constant 0 : index
    %swap3A_330 = vector.load %arg4[%swap3A_327, %swap3A_328, %swap3A_329] : memref<8x8x128xf32, #tpu.memory_space<vmem>>, vector<1x1x128xf32>
    %swap3A_331 = vector.shape_cast %swap3A_330 : vector<1x1x128xf32> to vector<128xf32>
    %swap3A_332 = vector.shape_cast %convert_element_type3A : vector<128xf32> to vector<1x1x128xf32>
    tpu.vector_store %arg4[%swap3A_327, %swap3A_328, %swap3A_329], %swap3A_332 {strides = array<i32>} : memref<8x8x128xf32, #tpu.memory_space<vmem>>, vector<1x1x128xf32>,
    %slice3A_333 = vector.extract_strided_slice %add3A_262 {offsets = [0, 125], sizes = [128, 125], strides = [1, 1]} : vector<128x1000xf32> to vector<128x125xf32>
    %slice3A_334 = vector.extract_strided_slice %add3A_266 {offsets = [0, 125], sizes = [128, 125], strides = [1, 1]} : vector<128x1000xf32> to vector<128x125xf32>
    %reduce_max3A_335 = arith.constant dense<0xFF800000> : vector<128xf32>
    %reduce_max3A_336 = vector.multi_reduction <maximumf>, %slice3A_333, %reduce_max3A_335 [1] : vector<128x125xf32> to vector<128xf32>
    %broadcast_in_dim3A_337 = vector.shape_cast %reduce_max3A_336 : vector<128xf32> to vector<128x1xf32>
    %sub3A_338 = vector.broadcast %broadcast_in_dim3A_337 : vector<128x1xf32> to vector<128x125xf32>
    %sub3A_339 = arith.subf %slice3A_333, %sub3A_338 : vector<128x125xf32>
    %exp3A_340 = math.exp %sub3A_339 : vector<128x125xf32>
    %reduce_sum3A_341 = arith.constant dense<0.000000e+00> : vector<128xf32>
    %reduce_sum3A_342 = vector.multi_reduction <add>, %exp3A_340, %reduce_sum3A_341 [1] : vector<128x125xf32> to vector<128xf32>
    %broadcast_in_dim3A_343 = vector.shape_cast %reduce_sum3A_342 : vector<128xf32> to vector<128x1xf32>
    %mul3A_344 = arith.mulf %slice3A_333, %exp3A_340 : vector<128x125xf32>
    %reduce_sum3A_345 = arith.constant dense<0.000000e+00> : vector<128xf32>
    %reduce_sum3A_346 = vector.multi_reduction <add>, %mul3A_344, %reduce_sum3A_345 [1] : vector<128x125xf32> to vector<128xf32>
    %broadcast_in_dim3A_347 = vector.shape_cast %reduce_sum3A_346 : vector<128xf32> to vector<128x1xf32>
    %reduce_max3A_348 = arith.constant dense<0xFF800000> : vector<128xf32>
    %reduce_max3A_349 = vector.multi_reduction <maximumf>, %slice3A_334, %reduce_max3A_348 [1] : vector<128x125xf32> to vector<128xf32>
    %broadcast_in_dim3A_350 = vector.shape_cast %reduce_max3A_349 : vector<128xf32> to vector<128x1xf32>
    %iota3A_351 = tpu.iota {dimensions = array<i32: 1>} : vector<128x125xi32>
    %add3A_352 = arith.constant 125 : i32
    %add3A_353 = vector.broadcast %add3A_352 : i32 to vector<128x125xi32>
    %add3A_354 = arith.addi %add3A_353, %iota3A_351 : vector<128x125xi32>
    %eq3A_355 = vector.broadcast %broadcast_in_dim3A_350 : vector<128x1xf32> to vector<128x125xf32>
    %eq3A_356 = arith.cmpf oeq, %slice3A_334, %eq3A_355 : vector<128x125xf32>
    %jit3A_357 = arith.constant 1073741824 : i32
    %broadcast_in_dim3A_358 = vector.broadcast %jit3A_357 : i32 to vector<128x125xi32>
    %select_n3A_359 = arith.select %eq3A_356, %add3A_354, %broadcast_in_dim3A_358 : vector<128x125xi1>, vector<128x125xi32>
    %reduce_min3A_360 = arith.constant dense<2147483647> : vector<128xi32>
    %reduce_min3A_361 = vector.multi_reduction <minsi>, %select_n3A_359, %reduce_min3A_360 [1] : vector<128x125xi32> to vector<128xi32>
    %broadcast_in_dim3A_362 = vector.shape_cast %reduce_min3A_361 : vector<128xi32> to vector<128x1xi32>
    %eq3A_363 = vector.broadcast %broadcast_in_dim3A_362 : vector<128x1xi32> to vector<128x125xi32>
    %eq3A_364 = arith.cmpi eq, %add3A_354, %eq3A_363 : vector<128x125xi32>
    %jit3A_365 = arith.constant 0.000000e+00 : f32
    %broadcast_in_dim3A_366 = vector.broadcast %jit3A_365 : f32 to vector<128x125xf32>
    %select_n3A_367 = arith.select %eq3A_364, %slice3A_333, %broadcast_in_dim3A_366 : vector<128x125xi1>, vector<128x125xf32>
    %reduce_sum3A_368 = arith.constant dense<0.000000e+00> : vector<128xf32>
    %reduce_sum3A_369 = vector.multi_reduction <add>, %select_n3A_367, %reduce_sum3A_368 [1] : vector<128x125xf32> to vector<128xf32>
    %broadcast_in_dim3A_370 = vector.shape_cast %reduce_sum3A_369 : vector<128xf32> to vector<128x1xf32>
    %squeeze3A_371 = vector.shape_cast %broadcast_in_dim3A_337 : vector<128x1xf32> to vector<128xf32>
    %swap3A_372 = arith.constant 1 : index
    %swap3A_373 = arith.constant 0 : index
    %swap3A_374 = arith.constant 0 : index
    %swap3A_375 = vector.load %arg4[%swap3A_372, %swap3A_373, %swap3A_374] : memref<8x8x128xf32, #tpu.memory_space<vmem>>, vector<1x1x128xf32>
    %swap3A_376 = vector.shape_cast %swap3A_375 : vector<1x1x128xf32> to vector<128xf32>
    %swap3A_377 = vector.shape_cast %squeeze3A_371 : vector<128xf32> to vector<1x1x128xf32>
    tpu.vector_store %arg4[%swap3A_372, %swap3A_373, %swap3A_374], %swap3A_377 {strides = array<i32>} : memref<8x8x128xf32, #tpu.memory_space<vmem>>, vector<1x1x128xf32>,
    %squeeze3A_378 = vector.shape_cast %broadcast_in_dim3A_343 : vector<128x1xf32> to vector<128xf32>
    %swap3A_379 = arith.constant 1 : index
    %swap3A_380 = arith.constant 1 : index
    %swap3A_381 = arith.constant 0 : index
    %swap3A_382 = vector.load %arg4[%swap3A_379, %swap3A_380, %swap3A_381] : memref<8x8x128xf32, #tpu.memory_space<vmem>>, vector<1x1x128xf32>
    %swap3A_383 = vector.shape_cast %swap3A_382 : vector<1x1x128xf32> to vector<128xf32>
    %swap3A_384 = vector.shape_cast %squeeze3A_378 : vector<128xf32> to vector<1x1x128xf32>
    tpu.vector_store %arg4[%swap3A_379, %swap3A_380, %swap3A_381], %swap3A_384 {strides = array<i32>} : memref<8x8x128xf32, #tpu.memory_space<vmem>>, vector<1x1x128xf32>,
    %squeeze3A_385 = vector.shape_cast %broadcast_in_dim3A_347 : vector<128x1xf32> to vector<128xf32>
    %swap3A_386 = arith.constant 1 : index
    %swap3A_387 = arith.constant 2 : index
    %swap3A_388 = arith.constant 0 : index
    %swap3A_389 = vector.load %arg4[%swap3A_386, %swap3A_387, %swap3A_388] : memref<8x8x128xf32, #tpu.memory_space<vmem>>, vector<1x1x128xf32>
    %swap3A_390 = vector.shape_cast %swap3A_389 : vector<1x1x128xf32> to vector<128xf32>
    %swap3A_391 = vector.shape_cast %squeeze3A_385 : vector<128xf32> to vector<1x1x128xf32>
    tpu.vector_store %arg4[%swap3A_386, %swap3A_387, %swap3A_388], %swap3A_391 {strides = array<i32>} : memref<8x8x128xf32, #tpu.memory_space<vmem>>, vector<1x1x128xf32>,
    %squeeze3A_392 = vector.shape_cast %broadcast_in_dim3A_350 : vector<128x1xf32> to vector<128xf32>
    %swap3A_393 = arith.constant 1 : index
    %swap3A_394 = arith.constant 3 : index
    %swap3A_395 = arith.constant 0 : index
    %swap3A_396 = vector.load %arg4[%swap3A_393, %swap3A_394, %swap3A_395] : memref<8x8x128xf32, #tpu.memory_space<vmem>>, vector<1x1x128xf32>
    %swap3A_397 = vector.shape_cast %swap3A_396 : vector<1x1x128xf32> to vector<128xf32>
    %swap3A_398 = vector.shape_cast %squeeze3A_392 : vector<128xf32> to vector<1x1x128xf32>
    tpu.vector_store %arg4[%swap3A_393, %swap3A_394, %swap3A_395], %swap3A_398 {strides = array<i32>} : memref<8x8x128xf32, #tpu.memory_space<vmem>>, vector<1x1x128xf32>,
    %squeeze3A_399 = vector.shape_cast %broadcast_in_dim3A_370 : vector<128x1xf32> to vector<128xf32>
    %swap3A_400 = arith.constant 1 : index
    %swap3A_401 = arith.constant 4 : index
    %swap3A_402 = arith.constant 0 : index
    %swap3A_403 = vector.load %arg4[%swap3A_400, %swap3A_401, %swap3A_402] : memref<8x8x128xf32, #tpu.memory_space<vmem>>, vector<1x1x128xf32>
    %swap3A_404 = vector.shape_cast %swap3A_403 : vector<1x1x128xf32> to vector<128xf32>
    %swap3A_405 = vector.shape_cast %squeeze3A_399 : vector<128xf32> to vector<1x1x128xf32>
    tpu.vector_store %arg4[%swap3A_400, %swap3A_401, %swap3A_402], %swap3A_405 {strides = array<i32>} : memref<8x8x128xf32, #tpu.memory_space<vmem>>, vector<1x1x128xf32>,
    %squeeze3A_406 = vector.shape_cast %broadcast_in_dim3A_362 : vector<128x1xi32> to vector<128xi32>
    %convert_element_type3A_407 = arith.sitofp %squeeze3A_406 : vector<128xi32> to vector<128xf32>
    %swap3A_408 = arith.constant 1 : index
    %swap3A_409 = arith.constant 5 : index
    %swap3A_410 = arith.constant 0 : index
    %swap3A_411 = vector.load %arg4[%swap3A_408, %swap3A_409, %swap3A_410] : memref<8x8x128xf32, #tpu.memory_space<vmem>>, vector<1x1x128xf32>
    %swap3A_412 = vector.shape_cast %swap3A_411 : vector<1x1x128xf32> to vector<128xf32>
    %swap3A_413 = vector.shape_cast %convert_element_type3A_407 : vector<128xf32> to vector<1x1x128xf32>
    tpu.vector_store %arg4[%swap3A_408, %swap3A_409, %swap3A_410], %swap3A_413 {strides = array<i32>} : memref<8x8x128xf32, #tpu.memory_space<vmem>>, vector<1x1x128xf32>,
    %slice3A_414 = vector.extract_strided_slice %add3A_262 {offsets = [0, 250], sizes = [128, 125], strides = [1, 1]} : vector<128x1000xf32> to vector<128x125xf32>
    %slice3A_415 = vector.extract_strided_slice %add3A_266 {offsets = [0, 250], sizes = [128, 125], strides = [1, 1]} : vector<128x1000xf32> to vector<128x125xf32>
    %reduce_max3A_416 = arith.constant dense<0xFF800000> : vector<128xf32>
    %reduce_max3A_417 = vector.multi_reduction <maximumf>, %slice3A_414, %reduce_max3A_416 [1] : vector<128x125xf32> to vector<128xf32>
    %broadcast_in_dim3A_418 = vector.shape_cast %reduce_max3A_417 : vector<128xf32> to vector<128x1xf32>
    %sub3A_419 = vector.broadcast %broadcast_in_dim3A_418 : vector<128x1xf32> to vector<128x125xf32>
    %sub3A_420 = arith.subf %slice3A_414, %sub3A_419 : vector<128x125xf32>
    %exp3A_421 = math.exp %sub3A_420 : vector<128x125xf32>
    %reduce_sum3A_422 = arith.constant dense<0.000000e+00> : vector<128xf32>
    %reduce_sum3A_423 = vector.multi_reduction <add>, %exp3A_421, %reduce_sum3A_422 [1] : vector<128x125xf32> to vector<128xf32>
    %broadcast_in_dim3A_424 = vector.shape_cast %reduce_sum3A_423 : vector<128xf32> to vector<128x1xf32>
    %mul3A_425 = arith.mulf %slice3A_414, %exp3A_421 : vector<128x125xf32>
    %reduce_sum3A_426 = arith.constant dense<0.000000e+00> : vector<128xf32>
    %reduce_sum3A_427 = vector.multi_reduction <add>, %mul3A_425, %reduce_sum3A_426 [1] : vector<128x125xf32> to vector<128xf32>
    %broadcast_in_dim3A_428 = vector.shape_cast %reduce_sum3A_427 : vector<128xf32> to vector<128x1xf32>
    %reduce_max3A_429 = arith.constant dense<0xFF800000> : vector<128xf32>
    %reduce_max3A_430 = vector.multi_reduction <maximumf>, %slice3A_415, %reduce_max3A_429 [1] : vector<128x125xf32> to vector<128xf32>
    %broadcast_in_dim3A_431 = vector.shape_cast %reduce_max3A_430 : vector<128xf32> to vector<128x1xf32>
    %iota3A_432 = tpu.iota {dimensions = array<i32: 1>} : vector<128x125xi32>
    %add3A_433 = arith.constant 250 : i32
    %add3A_434 = vector.broadcast %add3A_433 : i32 to vector<128x125xi32>
    %add3A_435 = arith.addi %add3A_434, %iota3A_432 : vector<128x125xi32>
    %eq3A_436 = vector.broadcast %broadcast_in_dim3A_431 : vector<128x1xf32> to vector<128x125xf32>
    %eq3A_437 = arith.cmpf oeq, %slice3A_415, %eq3A_436 : vector<128x125xf32>
    %jit3A_438 = arith.constant 1073741824 : i32
    %broadcast_in_dim3A_439 = vector.broadcast %jit3A_438 : i32 to vector<128x125xi32>
    %select_n3A_440 = arith.select %eq3A_437, %add3A_435, %broadcast_in_dim3A_439 : vector<128x125xi1>, vector<128x125xi32>
    %reduce_min3A_441 = arith.constant dense<2147483647> : vector<128xi32>
    %reduce_min3A_442 = vector.multi_reduction <minsi>, %select_n3A_440, %reduce_min3A_441 [1] : vector<128x125xi32> to vector<128xi32>
    %broadcast_in_dim3A_443 = vector.shape_cast %reduce_min3A_442 : vector<128xi32> to vector<128x1xi32>
    %eq3A_444 = vector.broadcast %broadcast_in_dim3A_443 : vector<128x1xi32> to vector<128x125xi32>
    %eq3A_445 = arith.cmpi eq, %add3A_435, %eq3A_444 : vector<128x125xi32>
    %jit3A_446 = arith.constant 0.000000e+00 : f32
    %broadcast_in_dim3A_447 = vector.broadcast %jit3A_446 : f32 to vector<128x125xf32>
    %select_n3A_448 = arith.select %eq3A_445, %slice3A_414, %broadcast_in_dim3A_447 : vector<128x125xi1>, vector<128x125xf32>
    %reduce_sum3A_449 = arith.constant dense<0.000000e+00> : vector<128xf32>
    %reduce_sum3A_450 = vector.multi_reduction <add>, %select_n3A_448, %reduce_sum3A_449 [1] : vector<128x125xf32> to vector<128xf32>
    %broadcast_in_dim3A_451 = vector.shape_cast %reduce_sum3A_450 : vector<128xf32> to vector<128x1xf32>
    %squeeze3A_452 = vector.shape_cast %broadcast_in_dim3A_418 : vector<128x1xf32> to vector<128xf32>
    %swap3A_453 = arith.constant 2 : index
    %swap3A_454 = arith.constant 0 : index
    %swap3A_455 = arith.constant 0 : index
    %swap3A_456 = vector.load %arg4[%swap3A_453, %swap3A_454, %swap3A_455] : memref<8x8x128xf32, #tpu.memory_space<vmem>>, vector<1x1x128xf32>
    %swap3A_457 = vector.shape_cast %swap3A_456 : vector<1x1x128xf32> to vector<128xf32>
    %swap3A_458 = vector.shape_cast %squeeze3A_452 : vector<128xf32> to vector<1x1x128xf32>
    tpu.vector_store %arg4[%swap3A_453, %swap3A_454, %swap3A_455], %swap3A_458 {strides = array<i32>} : memref<8x8x128xf32, #tpu.memory_space<vmem>>, vector<1x1x128xf32>,
    %squeeze3A_459 = vector.shape_cast %broadcast_in_dim3A_424 : vector<128x1xf32> to vector<128xf32>
    %swap3A_460 = arith.constant 2 : index
    %swap3A_461 = arith.constant 1 : index
    %swap3A_462 = arith.constant 0 : index
    %swap3A_463 = vector.load %arg4[%swap3A_460, %swap3A_461, %swap3A_462] : memref<8x8x128xf32, #tpu.memory_space<vmem>>, vector<1x1x128xf32>
    %swap3A_464 = vector.shape_cast %swap3A_463 : vector<1x1x128xf32> to vector<128xf32>
    %swap3A_465 = vector.shape_cast %squeeze3A_459 : vector<128xf32> to vector<1x1x128xf32>
    tpu.vector_store %arg4[%swap3A_460, %swap3A_461, %swap3A_462], %swap3A_465 {strides = array<i32>} : memref<8x8x128xf32, #tpu.memory_space<vmem>>, vector<1x1x128xf32>,
    %squeeze3A_466 = vector.shape_cast %broadcast_in_dim3A_428 : vector<128x1xf32> to vector<128xf32>
    %swap3A_467 = arith.constant 2 : index
    %swap3A_468 = arith.constant 2 : index
    %swap3A_469 = arith.constant 0 : index
    %swap3A_470 = vector.load %arg4[%swap3A_467, %swap3A_468, %swap3A_469] : memref<8x8x128xf32, #tpu.memory_space<vmem>>, vector<1x1x128xf32>
    %swap3A_471 = vector.shape_cast %swap3A_470 : vector<1x1x128xf32> to vector<128xf32>
    %swap3A_472 = vector.shape_cast %squeeze3A_466 : vector<128xf32> to vector<1x1x128xf32>
    tpu.vector_store %arg4[%swap3A_467, %swap3A_468, %swap3A_469], %swap3A_472 {strides = array<i32>} : memref<8x8x128xf32, #tpu.memory_space<vmem>>, vector<1x1x128xf32>,
    %squeeze3A_473 = vector.shape_cast %broadcast_in_dim3A_431 : vector<128x1xf32> to vector<128xf32>
    %swap3A_474 = arith.constant 2 : index
    %swap3A_475 = arith.constant 3 : index
    %swap3A_476 = arith.constant 0 : index
    %swap3A_477 = vector.load %arg4[%swap3A_474, %swap3A_475, %swap3A_476] : memref<8x8x128xf32, #tpu.memory_space<vmem>>, vector<1x1x128xf32>
    %swap3A_478 = vector.shape_cast %swap3A_477 : vector<1x1x128xf32> to vector<128xf32>
    %swap3A_479 = vector.shape_cast %squeeze3A_473 : vector<128xf32> to vector<1x1x128xf32>
    tpu.vector_store %arg4[%swap3A_474, %swap3A_475, %swap3A_476], %swap3A_479 {strides = array<i32>} : memref<8x8x128xf32, #tpu.memory_space<vmem>>, vector<1x1x128xf32>,
    %squeeze3A_480 = vector.shape_cast %broadcast_in_dim3A_451 : vector<128x1xf32> to vector<128xf32>
    %swap3A_481 = arith.constant 2 : index
    %swap3A_482 = arith.constant 4 : index
    %swap3A_483 = arith.constant 0 : index
    %swap3A_484 = vector.load %arg4[%swap3A_481, %swap3A_482, %swap3A_483] : memref<8x8x128xf32, #tpu.memory_space<vmem>>, vector<1x1x128xf32>
    %swap3A_485 = vector.shape_cast %swap3A_484 : vector<1x1x128xf32> to vector<128xf32>
    %swap3A_486 = vector.shape_cast %squeeze3A_480 : vector<128xf32> to vector<1x1x128xf32>
    tpu.vector_store %arg4[%swap3A_481, %swap3A_482, %swap3A_483], %swap3A_486 {strides = array<i32>} : memref<8x8x128xf32, #tpu.memory_space<vmem>>, vector<1x1x128xf32>,
    %squeeze3A_487 = vector.shape_cast %broadcast_in_dim3A_443 : vector<128x1xi32> to vector<128xi32>
    %convert_element_type3A_488 = arith.sitofp %squeeze3A_487 : vector<128xi32> to vector<128xf32>
    %swap3A_489 = arith.constant 2 : index
    %swap3A_490 = arith.constant 5 : index
    %swap3A_491 = arith.constant 0 : index
    %swap3A_492 = vector.load %arg4[%swap3A_489, %swap3A_490, %swap3A_491] : memref<8x8x128xf32, #tpu.memory_space<vmem>>, vector<1x1x128xf32>
    %swap3A_493 = vector.shape_cast %swap3A_492 : vector<1x1x128xf32> to vector<128xf32>
    %swap3A_494 = vector.shape_cast %convert_element_type3A_488 : vector<128xf32> to vector<1x1x128xf32>
    tpu.vector_store %arg4[%swap3A_489, %swap3A_490, %swap3A_491], %swap3A_494 {strides = array<i32>} : memref<8x8x128xf32, #tpu.memory_space<vmem>>, vector<1x1x128xf32>,
    %slice3A_495 = vector.extract_strided_slice %add3A_262 {offsets = [0, 375], sizes = [128, 125], strides = [1, 1]} : vector<128x1000xf32> to vector<128x125xf32>
    %slice3A_496 = vector.extract_strided_slice %add3A_266 {offsets = [0, 375], sizes = [128, 125], strides = [1, 1]} : vector<128x1000xf32> to vector<128x125xf32>
    %reduce_max3A_497 = arith.constant dense<0xFF800000> : vector<128xf32>
    %reduce_max3A_498 = vector.multi_reduction <maximumf>, %slice3A_495, %reduce_max3A_497 [1] : vector<128x125xf32> to vector<128xf32>
    %broadcast_in_dim3A_499 = vector.shape_cast %reduce_max3A_498 : vector<128xf32> to vector<128x1xf32>
    %sub3A_500 = vector.broadcast %broadcast_in_dim3A_499 : vector<128x1xf32> to vector<128x125xf32>
    %sub3A_501 = arith.subf %slice3A_495, %sub3A_500 : vector<128x125xf32>
    %exp3A_502 = math.exp %sub3A_501 : vector<128x125xf32>
    %reduce_sum3A_503 = arith.constant dense<0.000000e+00> : vector<128xf32>
    %reduce_sum3A_504 = vector.multi_reduction <add>, %exp3A_502, %reduce_sum3A_503 [1] : vector<128x125xf32> to vector<128xf32>
    %broadcast_in_dim3A_505 = vector.shape_cast %reduce_sum3A_504 : vector<128xf32> to vector<128x1xf32>
    %mul3A_506 = arith.mulf %slice3A_495, %exp3A_502 : vector<128x125xf32>
    %reduce_sum3A_507 = arith.constant dense<0.000000e+00> : vector<128xf32>
    %reduce_sum3A_508 = vector.multi_reduction <add>, %mul3A_506, %reduce_sum3A_507 [1] : vector<128x125xf32> to vector<128xf32>
    %broadcast_in_dim3A_509 = vector.shape_cast %reduce_sum3A_508 : vector<128xf32> to vector<128x1xf32>
    %reduce_max3A_510 = arith.constant dense<0xFF800000> : vector<128xf32>
    %reduce_max3A_511 = vector.multi_reduction <maximumf>, %slice3A_496, %reduce_max3A_510 [1] : vector<128x125xf32> to vector<128xf32>
    %broadcast_in_dim3A_512 = vector.shape_cast %reduce_max3A_511 : vector<128xf32> to vector<128x1xf32>
    %iota3A_513 = tpu.iota {dimensions = array<i32: 1>} : vector<128x125xi32>
    %add3A_514 = arith.constant 375 : i32
    %add3A_515 = vector.broadcast %add3A_514 : i32 to vector<128x125xi32>
    %add3A_516 = arith.addi %add3A_515, %iota3A_513 : vector<128x125xi32>
    %eq3A_517 = vector.broadcast %broadcast_in_dim3A_512 : vector<128x1xf32> to vector<128x125xf32>
    %eq3A_518 = arith.cmpf oeq, %slice3A_496, %eq3A_517 : vector<128x125xf32>
    %jit3A_519 = arith.constant 1073741824 : i32
    %broadcast_in_dim3A_520 = vector.broadcast %jit3A_519 : i32 to vector<128x125xi32>
    %select_n3A_521 = arith.select %eq3A_518, %add3A_516, %broadcast_in_dim3A_520 : vector<128x125xi1>, vector<128x125xi32>
    %reduce_min3A_522 = arith.constant dense<2147483647> : vector<128xi32>
    %reduce_min3A_523 = vector.multi_reduction <minsi>, %select_n3A_521, %reduce_min3A_522 [1] : vector<128x125xi32> to vector<128xi32>
    %broadcast_in_dim3A_524 = vector.shape_cast %reduce_min3A_523 : vector<128xi32> to vector<128x1xi32>
    %eq3A_525 = vector.broadcast %broadcast_in_dim3A_524 : vector<128x1xi32> to vector<128x125xi32>
    %eq3A_526 = arith.cmpi eq, %add3A_516, %eq3A_525 : vector<128x125xi32>
    %jit3A_527 = arith.constant 0.000000e+00 : f32
    %broadcast_in_dim3A_528 = vector.broadcast %jit3A_527 : f32 to vector<128x125xf32>
    %select_n3A_529 = arith.select %eq3A_526, %slice3A_495, %broadcast_in_dim3A_528 : vector<128x125xi1>, vector<128x125xf32>
    %reduce_sum3A_530 = arith.constant dense<0.000000e+00> : vector<128xf32>
    %reduce_sum3A_531 = vector.multi_reduction <add>, %select_n3A_529, %reduce_sum3A_530 [1] : vector<128x125xf32> to vector<128xf32>
    %broadcast_in_dim3A_532 = vector.shape_cast %reduce_sum3A_531 : vector<128xf32> to vector<128x1xf32>
    %squeeze3A_533 = vector.shape_cast %broadcast_in_dim3A_499 : vector<128x1xf32> to vector<128xf32>
    %swap3A_534 = arith.constant 3 : index
    %swap3A_535 = arith.constant 0 : index
    %swap3A_536 = arith.constant 0 : index
    %swap3A_537 = vector.load %arg4[%swap3A_534, %swap3A_535, %swap3A_536] : memref<8x8x128xf32, #tpu.memory_space<vmem>>, vector<1x1x128xf32>
    %swap3A_538 = vector.shape_cast %swap3A_537 : vector<1x1x128xf32> to vector<128xf32>
    %swap3A_539 = vector.shape_cast %squeeze3A_533 : vector<128xf32> to vector<1x1x128xf32>
    tpu.vector_store %arg4[%swap3A_534, %swap3A_535, %swap3A_536], %swap3A_539 {strides = array<i32>} : memref<8x8x128xf32, #tpu.memory_space<vmem>>, vector<1x1x128xf32>,
    %squeeze3A_540 = vector.shape_cast %broadcast_in_dim3A_505 : vector<128x1xf32> to vector<128xf32>
    %swap3A_541 = arith.constant 3 : index
    %swap3A_542 = arith.constant 1 : index
    %swap3A_543 = arith.constant 0 : index
    %swap3A_544 = vector.load %arg4[%swap3A_541, %swap3A_542, %swap3A_543] : memref<8x8x128xf32, #tpu.memory_space<vmem>>, vector<1x1x128xf32>
    %swap3A_545 = vector.shape_cast %swap3A_544 : vector<1x1x128xf32> to vector<128xf32>
    %swap3A_546 = vector.shape_cast %squeeze3A_540 : vector<128xf32> to vector<1x1x128xf32>
    tpu.vector_store %arg4[%swap3A_541, %swap3A_542, %swap3A_543], %swap3A_546 {strides = array<i32>} : memref<8x8x128xf32, #tpu.memory_space<vmem>>, vector<1x1x128xf32>,
    %squeeze3A_547 = vector.shape_cast %broadcast_in_dim3A_509 : vector<128x1xf32> to vector<128xf32>
    %swap3A_548 = arith.constant 3 : index
    %swap3A_549 = arith.constant 2 : index
    %swap3A_550 = arith.constant 0 : index
    %swap3A_551 = vector.load %arg4[%swap3A_548, %swap3A_549, %swap3A_550] : memref<8x8x128xf32, #tpu.memory_space<vmem>>, vector<1x1x128xf32>
    %swap3A_552 = vector.shape_cast %swap3A_551 : vector<1x1x128xf32> to vector<128xf32>
    %swap3A_553 = vector.shape_cast %squeeze3A_547 : vector<128xf32> to vector<1x1x128xf32>
    tpu.vector_store %arg4[%swap3A_548, %swap3A_549, %swap3A_550], %swap3A_553 {strides = array<i32>} : memref<8x8x128xf32, #tpu.memory_space<vmem>>, vector<1x1x128xf32>,
    %squeeze3A_554 = vector.shape_cast %broadcast_in_dim3A_512 : vector<128x1xf32> to vector<128xf32>
    %swap3A_555 = arith.constant 3 : index
    %swap3A_556 = arith.constant 3 : index
    %swap3A_557 = arith.constant 0 : index
    %swap3A_558 = vector.load %arg4[%swap3A_555, %swap3A_556, %swap3A_557] : memref<8x8x128xf32, #tpu.memory_space<vmem>>, vector<1x1x128xf32>
    %swap3A_559 = vector.shape_cast %swap3A_558 : vector<1x1x128xf32> to vector<128xf32>
    %swap3A_560 = vector.shape_cast %squeeze3A_554 : vector<128xf32> to vector<1x1x128xf32>
    tpu.vector_store %arg4[%swap3A_555, %swap3A_556, %swap3A_557], %swap3A_560 {strides = array<i32>} : memref<8x8x128xf32, #tpu.memory_space<vmem>>, vector<1x1x128xf32>,
    %squeeze3A_561 = vector.shape_cast %broadcast_in_dim3A_532 : vector<128x1xf32> to vector<128xf32>
    %swap3A_562 = arith.constant 3 : index
    %swap3A_563 = arith.constant 4 : index
    %swap3A_564 = arith.constant 0 : index
    %swap3A_565 = vector.load %arg4[%swap3A_562, %swap3A_563, %swap3A_564] : memref<8x8x128xf32, #tpu.memory_space<vmem>>, vector<1x1x128xf32>
    %swap3A_566 = vector.shape_cast %swap3A_565 : vector<1x1x128xf32> to vector<128xf32>
    %swap3A_567 = vector.shape_cast %squeeze3A_561 : vector<128xf32> to vector<1x1x128xf32>
    tpu.vector_store %arg4[%swap3A_562, %swap3A_563, %swap3A_564], %swap3A_567 {strides = array<i32>} : memref<8x8x128xf32, #tpu.memory_space<vmem>>, vector<1x1x128xf32>,
    %squeeze3A_568 = vector.shape_cast %broadcast_in_dim3A_524 : vector<128x1xi32> to vector<128xi32>
    %convert_element_type3A_569 = arith.sitofp %squeeze3A_568 : vector<128xi32> to vector<128xf32>
    %swap3A_570 = arith.constant 3 : index
    %swap3A_571 = arith.constant 5 : index
    %swap3A_572 = arith.constant 0 : index
    %swap3A_573 = vector.load %arg4[%swap3A_570, %swap3A_571, %swap3A_572] : memref<8x8x128xf32, #tpu.memory_space<vmem>>, vector<1x1x128xf32>
    %swap3A_574 = vector.shape_cast %swap3A_573 : vector<1x1x128xf32> to vector<128xf32>
    %swap3A_575 = vector.shape_cast %convert_element_type3A_569 : vector<128xf32> to vector<1x1x128xf32>
    tpu.vector_store %arg4[%swap3A_570, %swap3A_571, %swap3A_572], %swap3A_575 {strides = array<i32>} : memref<8x8x128xf32, #tpu.memory_space<vmem>>, vector<1x1x128xf32>,
    %slice3A_576 = vector.extract_strided_slice %add3A_262 {offsets = [0, 500], sizes = [128, 125], strides = [1, 1]} : vector<128x1000xf32> to vector<128x125xf32>
    %slice3A_577 = vector.extract_strided_slice %add3A_266 {offsets = [0, 500], sizes = [128, 125], strides = [1, 1]} : vector<128x1000xf32> to vector<128x125xf32>
    %reduce_max3A_578 = arith.constant dense<0xFF800000> : vector<128xf32>
    %reduce_max3A_579 = vector.multi_reduction <maximumf>, %slice3A_576, %reduce_max3A_578 [1] : vector<128x125xf32> to vector<128xf32>
    %broadcast_in_dim3A_580 = vector.shape_cast %reduce_max3A_579 : vector<128xf32> to vector<128x1xf32>
    %sub3A_581 = vector.broadcast %broadcast_in_dim3A_580 : vector<128x1xf32> to vector<128x125xf32>
    %sub3A_582 = arith.subf %slice3A_576, %sub3A_581 : vector<128x125xf32>
    %exp3A_583 = math.exp %sub3A_582 : vector<128x125xf32>
    %reduce_sum3A_584 = arith.constant dense<0.000000e+00> : vector<128xf32>
    %reduce_sum3A_585 = vector.multi_reduction <add>, %exp3A_583, %reduce_sum3A_584 [1] : vector<128x125xf32> to vector<128xf32>
    %broadcast_in_dim3A_586 = vector.shape_cast %reduce_sum3A_585 : vector<128xf32> to vector<128x1xf32>
    %mul3A_587 = arith.mulf %slice3A_576, %exp3A_583 : vector<128x125xf32>
    %reduce_sum3A_588 = arith.constant dense<0.000000e+00> : vector<128xf32>
    %reduce_sum3A_589 = vector.multi_reduction <add>, %mul3A_587, %reduce_sum3A_588 [1] : vector<128x125xf32> to vector<128xf32>
    %broadcast_in_dim3A_590 = vector.shape_cast %reduce_sum3A_589 : vector<128xf32> to vector<128x1xf32>
    %reduce_max3A_591 = arith.constant dense<0xFF800000> : vector<128xf32>
    %reduce_max3A_592 = vector.multi_reduction <maximumf>, %slice3A_577, %reduce_max3A_591 [1] : vector<128x125xf32> to vector<128xf32>
    %broadcast_in_dim3A_593 = vector.shape_cast %reduce_max3A_592 : vector<128xf32> to vector<128x1xf32>
    %iota3A_594 = tpu.iota {dimensions = array<i32: 1>} : vector<128x125xi32>
    %add3A_595 = arith.constant 500 : i32
    %add3A_596 = vector.broadcast %add3A_595 : i32 to vector<128x125xi32>
    %add3A_597 = arith.addi %add3A_596, %iota3A_594 : vector<128x125xi32>
    %eq3A_598 = vector.broadcast %broadcast_in_dim3A_593 : vector<128x1xf32> to vector<128x125xf32>
    %eq3A_599 = arith.cmpf oeq, %slice3A_577, %eq3A_598 : vector<128x125xf32>
    %jit3A_600 = arith.constant 1073741824 : i32
    %broadcast_in_dim3A_601 = vector.broadcast %jit3A_600 : i32 to vector<128x125xi32>
    %select_n3A_602 = arith.select %eq3A_599, %add3A_597, %broadcast_in_dim3A_601 : vector<128x125xi1>, vector<128x125xi32>
    %reduce_min3A_603 = arith.constant dense<2147483647> : vector<128xi32>
    %reduce_min3A_604 = vector.multi_reduction <minsi>, %select_n3A_602, %reduce_min3A_603 [1] : vector<128x125xi32> to vector<128xi32>
    %broadcast_in_dim3A_605 = vector.shape_cast %reduce_min3A_604 : vector<128xi32> to vector<128x1xi32>
    %eq3A_606 = vector.broadcast %broadcast_in_dim3A_605 : vector<128x1xi32> to vector<128x125xi32>
    %eq3A_607 = arith.cmpi eq, %add3A_597, %eq3A_606 : vector<128x125xi32>
    %jit3A_608 = arith.constant 0.000000e+00 : f32
    %broadcast_in_dim3A_609 = vector.broadcast %jit3A_608 : f32 to vector<128x125xf32>
    %select_n3A_610 = arith.select %eq3A_607, %slice3A_576, %broadcast_in_dim3A_609 : vector<128x125xi1>, vector<128x125xf32>
    %reduce_sum3A_611 = arith.constant dense<0.000000e+00> : vector<128xf32>
    %reduce_sum3A_612 = vector.multi_reduction <add>, %select_n3A_610, %reduce_sum3A_611 [1] : vector<128x125xf32> to vector<128xf32>
    %broadcast_in_dim3A_613 = vector.shape_cast %reduce_sum3A_612 : vector<128xf32> to vector<128x1xf32>
    %squeeze3A_614 = vector.shape_cast %broadcast_in_dim3A_580 : vector<128x1xf32> to vector<128xf32>
    %swap3A_615 = arith.constant 4 : index
    %swap3A_616 = arith.constant 0 : index
    %swap3A_617 = arith.constant 0 : index
    %swap3A_618 = vector.load %arg4[%swap3A_615, %swap3A_616, %swap3A_617] : memref<8x8x128xf32, #tpu.memory_space<vmem>>, vector<1x1x128xf32>
    %swap3A_619 = vector.shape_cast %swap3A_618 : vector<1x1x128xf32> to vector<128xf32>
    %swap3A_620 = vector.shape_cast %squeeze3A_614 : vector<128xf32> to vector<1x1x128xf32>
    tpu.vector_store %arg4[%swap3A_615, %swap3A_616, %swap3A_617], %swap3A_620 {strides = array<i32>} : memref<8x8x128xf32, #tpu.memory_space<vmem>>, vector<1x1x128xf32>,
    %squeeze3A_621 = vector.shape_cast %broadcast_in_dim3A_586 : vector<128x1xf32> to vector<128xf32>
    %swap3A_622 = arith.constant 4 : index
    %swap3A_623 = arith.constant 1 : index
    %swap3A_624 = arith.constant 0 : index
    %swap3A_625 = vector.load %arg4[%swap3A_622, %swap3A_623, %swap3A_624] : memref<8x8x128xf32, #tpu.memory_space<vmem>>, vector<1x1x128xf32>
    %swap3A_626 = vector.shape_cast %swap3A_625 : vector<1x1x128xf32> to vector<128xf32>
    %swap3A_627 = vector.shape_cast %squeeze3A_621 : vector<128xf32> to vector<1x1x128xf32>
    tpu.vector_store %arg4[%swap3A_622, %swap3A_623, %swap3A_624], %swap3A_627 {strides = array<i32>} : memref<8x8x128xf32, #tpu.memory_space<vmem>>, vector<1x1x128xf32>,
    %squeeze3A_628 = vector.shape_cast %broadcast_in_dim3A_590 : vector<128x1xf32> to vector<128xf32>
    %swap3A_629 = arith.constant 4 : index
    %swap3A_630 = arith.constant 2 : index
    %swap3A_631 = arith.constant 0 : index
    %swap3A_632 = vector.load %arg4[%swap3A_629, %swap3A_630, %swap3A_631] : memref<8x8x128xf32, #tpu.memory_space<vmem>>, vector<1x1x128xf32>
    %swap3A_633 = vector.shape_cast %swap3A_632 : vector<1x1x128xf32> to vector<128xf32>
    %swap3A_634 = vector.shape_cast %squeeze3A_628 : vector<128xf32> to vector<1x1x128xf32>
    tpu.vector_store %arg4[%swap3A_629, %swap3A_630, %swap3A_631], %swap3A_634 {strides = array<i32>} : memref<8x8x128xf32, #tpu.memory_space<vmem>>, vector<1x1x128xf32>,
    %squeeze3A_635 = vector.shape_cast %broadcast_in_dim3A_593 : vector<128x1xf32> to vector<128xf32>
    %swap3A_636 = arith.constant 4 : index
    %swap3A_637 = arith.constant 3 : index
    %swap3A_638 = arith.constant 0 : index
    %swap3A_639 = vector.load %arg4[%swap3A_636, %swap3A_637, %swap3A_638] : memref<8x8x128xf32, #tpu.memory_space<vmem>>, vector<1x1x128xf32>
    %swap3A_640 = vector.shape_cast %swap3A_639 : vector<1x1x128xf32> to vector<128xf32>
    %swap3A_641 = vector.shape_cast %squeeze3A_635 : vector<128xf32> to vector<1x1x128xf32>
    tpu.vector_store %arg4[%swap3A_636, %swap3A_637, %swap3A_638], %swap3A_641 {strides = array<i32>} : memref<8x8x128xf32, #tpu.memory_space<vmem>>, vector<1x1x128xf32>,
    %squeeze3A_642 = vector.shape_cast %broadcast_in_dim3A_613 : vector<128x1xf32> to vector<128xf32>
    %swap3A_643 = arith.constant 4 : index
    %swap3A_644 = arith.constant 4 : index
    %swap3A_645 = arith.constant 0 : index
    %swap3A_646 = vector.load %arg4[%swap3A_643, %swap3A_644, %swap3A_645] : memref<8x8x128xf32, #tpu.memory_space<vmem>>, vector<1x1x128xf32>
    %swap3A_647 = vector.shape_cast %swap3A_646 : vector<1x1x128xf32> to vector<128xf32>
    %swap3A_648 = vector.shape_cast %squeeze3A_642 : vector<128xf32> to vector<1x1x128xf32>
    tpu.vector_store %arg4[%swap3A_643, %swap3A_644, %swap3A_645], %swap3A_648 {strides = array<i32>} : memref<8x8x128xf32, #tpu.memory_space<vmem>>, vector<1x1x128xf32>,
    %squeeze3A_649 = vector.shape_cast %broadcast_in_dim3A_605 : vector<128x1xi32> to vector<128xi32>
    %convert_element_type3A_650 = arith.sitofp %squeeze3A_649 : vector<128xi32> to vector<128xf32>
    %swap3A_651 = arith.constant 4 : index
    %swap3A_652 = arith.constant 5 : index
    %swap3A_653 = arith.constant 0 : index
    %swap3A_654 = vector.load %arg4[%swap3A_651, %swap3A_652, %swap3A_653] : memref<8x8x128xf32, #tpu.memory_space<vmem>>, vector<1x1x128xf32>
    %swap3A_655 = vector.shape_cast %swap3A_654 : vector<1x1x128xf32> to vector<128xf32>
    %swap3A_656 = vector.shape_cast %convert_element_type3A_650 : vector<128xf32> to vector<1x1x128xf32>
    tpu.vector_store %arg4[%swap3A_651, %swap3A_652, %swap3A_653], %swap3A_656 {strides = array<i32>} : memref<8x8x128xf32, #tpu.memory_space<vmem>>, vector<1x1x128xf32>,
    %slice3A_657 = vector.extract_strided_slice %add3A_262 {offsets = [0, 625], sizes = [128, 125], strides = [1, 1]} : vector<128x1000xf32> to vector<128x125xf32>
    %slice3A_658 = vector.extract_strided_slice %add3A_266 {offsets = [0, 625], sizes = [128, 125], strides = [1, 1]} : vector<128x1000xf32> to vector<128x125xf32>
    %reduce_max3A_659 = arith.constant dense<0xFF800000> : vector<128xf32>
    %reduce_max3A_660 = vector.multi_reduction <maximumf>, %slice3A_657, %reduce_max3A_659 [1] : vector<128x125xf32> to vector<128xf32>
    %broadcast_in_dim3A_661 = vector.shape_cast %reduce_max3A_660 : vector<128xf32> to vector<128x1xf32>
    %sub3A_662 = vector.broadcast %broadcast_in_dim3A_661 : vector<128x1xf32> to vector<128x125xf32>
    %sub3A_663 = arith.subf %slice3A_657, %sub3A_662 : vector<128x125xf32>
    %exp3A_664 = math.exp %sub3A_663 : vector<128x125xf32>
    %reduce_sum3A_665 = arith.constant dense<0.000000e+00> : vector<128xf32>
    %reduce_sum3A_666 = vector.multi_reduction <add>, %exp3A_664, %reduce_sum3A_665 [1] : vector<128x125xf32> to vector<128xf32>
    %broadcast_in_dim3A_667 = vector.shape_cast %reduce_sum3A_666 : vector<128xf32> to vector<128x1xf32>
    %mul3A_668 = arith.mulf %slice3A_657, %exp3A_664 : vector<128x125xf32>
    %reduce_sum3A_669 = arith.constant dense<0.000000e+00> : vector<128xf32>
    %reduce_sum3A_670 = vector.multi_reduction <add>, %mul3A_668, %reduce_sum3A_669 [1] : vector<128x125xf32> to vector<128xf32>
    %broadcast_in_dim3A_671 = vector.shape_cast %reduce_sum3A_670 : vector<128xf32> to vector<128x1xf32>
    %reduce_max3A_672 = arith.constant dense<0xFF800000> : vector<128xf32>
    %reduce_max3A_673 = vector.multi_reduction <maximumf>, %slice3A_658, %reduce_max3A_672 [1] : vector<128x125xf32> to vector<128xf32>
    %broadcast_in_dim3A_674 = vector.shape_cast %reduce_max3A_673 : vector<128xf32> to vector<128x1xf32>
    %iota3A_675 = tpu.iota {dimensions = array<i32: 1>} : vector<128x125xi32>
    %add3A_676 = arith.constant 625 : i32
    %add3A_677 = vector.broadcast %add3A_676 : i32 to vector<128x125xi32>
    %add3A_678 = arith.addi %add3A_677, %iota3A_675 : vector<128x125xi32>
    %eq3A_679 = vector.broadcast %broadcast_in_dim3A_674 : vector<128x1xf32> to vector<128x125xf32>
    %eq3A_680 = arith.cmpf oeq, %slice3A_658, %eq3A_679 : vector<128x125xf32>
    %jit3A_681 = arith.constant 1073741824 : i32
    %broadcast_in_dim3A_682 = vector.broadcast %jit3A_681 : i32 to vector<128x125xi32>
    %select_n3A_683 = arith.select %eq3A_680, %add3A_678, %broadcast_in_dim3A_682 : vector<128x125xi1>, vector<128x125xi32>
    %reduce_min3A_684 = arith.constant dense<2147483647> : vector<128xi32>
    %reduce_min3A_685 = vector.multi_reduction <minsi>, %select_n3A_683, %reduce_min3A_684 [1] : vector<128x125xi32> to vector<128xi32>
    %broadcast_in_dim3A_686 = vector.shape_cast %reduce_min3A_685 : vector<128xi32> to vector<128x1xi32>
    %eq3A_687 = vector.broadcast %broadcast_in_dim3A_686 : vector<128x1xi32> to vector<128x125xi32>
    %eq3A_688 = arith.cmpi eq, %add3A_678, %eq3A_687 : vector<128x125xi32>
    %jit3A_689 = arith.constant 0.000000e+00 : f32
    %broadcast_in_dim3A_690 = vector.broadcast %jit3A_689 : f32 to vector<128x125xf32>
    %select_n3A_691 = arith.select %eq3A_688, %slice3A_657, %broadcast_in_dim3A_690 : vector<128x125xi1>, vector<128x125xf32>
    %reduce_sum3A_692 = arith.constant dense<0.000000e+00> : vector<128xf32>
    %reduce_sum3A_693 = vector.multi_reduction <add>, %select_n3A_691, %reduce_sum3A_692 [1] : vector<128x125xf32> to vector<128xf32>
    %broadcast_in_dim3A_694 = vector.shape_cast %reduce_sum3A_693 : vector<128xf32> to vector<128x1xf32>
    %squeeze3A_695 = vector.shape_cast %broadcast_in_dim3A_661 : vector<128x1xf32> to vector<128xf32>
    %swap3A_696 = arith.constant 5 : index
    %swap3A_697 = arith.constant 0 : index
    %swap3A_698 = arith.constant 0 : index
    %swap3A_699 = vector.load %arg4[%swap3A_696, %swap3A_697, %swap3A_698] : memref<8x8x128xf32, #tpu.memory_space<vmem>>, vector<1x1x128xf32>
    %swap3A_700 = vector.shape_cast %swap3A_699 : vector<1x1x128xf32> to vector<128xf32>
    %swap3A_701 = vector.shape_cast %squeeze3A_695 : vector<128xf32> to vector<1x1x128xf32>
    tpu.vector_store %arg4[%swap3A_696, %swap3A_697, %swap3A_698], %swap3A_701 {strides = array<i32>} : memref<8x8x128xf32, #tpu.memory_space<vmem>>, vector<1x1x128xf32>,
    %squeeze3A_702 = vector.shape_cast %broadcast_in_dim3A_667 : vector<128x1xf32> to vector<128xf32>
    %swap3A_703 = arith.constant 5 : index
    %swap3A_704 = arith.constant 1 : index
    %swap3A_705 = arith.constant 0 : index
    %swap3A_706 = vector.load %arg4[%swap3A_703, %swap3A_704, %swap3A_705] : memref<8x8x128xf32, #tpu.memory_space<vmem>>, vector<1x1x128xf32>
    %swap3A_707 = vector.shape_cast %swap3A_706 : vector<1x1x128xf32> to vector<128xf32>
    %swap3A_708 = vector.shape_cast %squeeze3A_702 : vector<128xf32> to vector<1x1x128xf32>
    tpu.vector_store %arg4[%swap3A_703, %swap3A_704, %swap3A_705], %swap3A_708 {strides = array<i32>} : memref<8x8x128xf32, #tpu.memory_space<vmem>>, vector<1x1x128xf32>,
    %squeeze3A_709 = vector.shape_cast %broadcast_in_dim3A_671 : vector<128x1xf32> to vector<128xf32>
    %swap3A_710 = arith.constant 5 : index
    %swap3A_711 = arith.constant 2 : index
    %swap3A_712 = arith.constant 0 : index
    %swap3A_713 = vector.load %arg4[%swap3A_710, %swap3A_711, %swap3A_712] : memref<8x8x128xf32, #tpu.memory_space<vmem>>, vector<1x1x128xf32>
    %swap3A_714 = vector.shape_cast %swap3A_713 : vector<1x1x128xf32> to vector<128xf32>
    %swap3A_715 = vector.shape_cast %squeeze3A_709 : vector<128xf32> to vector<1x1x128xf32>
    tpu.vector_store %arg4[%swap3A_710, %swap3A_711, %swap3A_712], %swap3A_715 {strides = array<i32>} : memref<8x8x128xf32, #tpu.memory_space<vmem>>, vector<1x1x128xf32>,
    %squeeze3A_716 = vector.shape_cast %broadcast_in_dim3A_674 : vector<128x1xf32> to vector<128xf32>
    %swap3A_717 = arith.constant 5 : index
    %swap3A_718 = arith.constant 3 : index
    %swap3A_719 = arith.constant 0 : index
    %swap3A_720 = vector.load %arg4[%swap3A_717, %swap3A_718, %swap3A_719] : memref<8x8x128xf32, #tpu.memory_space<vmem>>, vector<1x1x128xf32>
    %swap3A_721 = vector.shape_cast %swap3A_720 : vector<1x1x128xf32> to vector<128xf32>
    %swap3A_722 = vector.shape_cast %squeeze3A_716 : vector<128xf32> to vector<1x1x128xf32>
    tpu.vector_store %arg4[%swap3A_717, %swap3A_718, %swap3A_719], %swap3A_722 {strides = array<i32>} : memref<8x8x128xf32, #tpu.memory_space<vmem>>, vector<1x1x128xf32>,
    %squeeze3A_723 = vector.shape_cast %broadcast_in_dim3A_694 : vector<128x1xf32> to vector<128xf32>
    %swap3A_724 = arith.constant 5 : index
    %swap3A_725 = arith.constant 4 : index
    %swap3A_726 = arith.constant 0 : index
    %swap3A_727 = vector.load %arg4[%swap3A_724, %swap3A_725, %swap3A_726] : memref<8x8x128xf32, #tpu.memory_space<vmem>>, vector<1x1x128xf32>
    %swap3A_728 = vector.shape_cast %swap3A_727 : vector<1x1x128xf32> to vector<128xf32>
    %swap3A_729 = vector.shape_cast %squeeze3A_723 : vector<128xf32> to vector<1x1x128xf32>
    tpu.vector_store %arg4[%swap3A_724, %swap3A_725, %swap3A_726], %swap3A_729 {strides = array<i32>} : memref<8x8x128xf32, #tpu.memory_space<vmem>>, vector<1x1x128xf32>,
    %squeeze3A_730 = vector.shape_cast %broadcast_in_dim3A_686 : vector<128x1xi32> to vector<128xi32>
    %convert_element_type3A_731 = arith.sitofp %squeeze3A_730 : vector<128xi32> to vector<128xf32>
    %swap3A_732 = arith.constant 5 : index
    %swap3A_733 = arith.constant 5 : index
    %swap3A_734 = arith.constant 0 : index
    %swap3A_735 = vector.load %arg4[%swap3A_732, %swap3A_733, %swap3A_734] : memref<8x8x128xf32, #tpu.memory_space<vmem>>, vector<1x1x128xf32>
    %swap3A_736 = vector.shape_cast %swap3A_735 : vector<1x1x128xf32> to vector<128xf32>
    %swap3A_737 = vector.shape_cast %convert_element_type3A_731 : vector<128xf32> to vector<1x1x128xf32>
    tpu.vector_store %arg4[%swap3A_732, %swap3A_733, %swap3A_734], %swap3A_737 {strides = array<i32>} : memref<8x8x128xf32, #tpu.memory_space<vmem>>, vector<1x1x128xf32>,
    %slice3A_738 = vector.extract_strided_slice %add3A_262 {offsets = [0, 750], sizes = [128, 125], strides = [1, 1]} : vector<128x1000xf32> to vector<128x125xf32>
    %slice3A_739 = vector.extract_strided_slice %add3A_266 {offsets = [0, 750], sizes = [128, 125], strides = [1, 1]} : vector<128x1000xf32> to vector<128x125xf32>
    %reduce_max3A_740 = arith.constant dense<0xFF800000> : vector<128xf32>
    %reduce_max3A_741 = vector.multi_reduction <maximumf>, %slice3A_738, %reduce_max3A_740 [1] : vector<128x125xf32> to vector<128xf32>
    %broadcast_in_dim3A_742 = vector.shape_cast %reduce_max3A_741 : vector<128xf32> to vector<128x1xf32>
    %sub3A_743 = vector.broadcast %broadcast_in_dim3A_742 : vector<128x1xf32> to vector<128x125xf32>
    %sub3A_744 = arith.subf %slice3A_738, %sub3A_743 : vector<128x125xf32>
    %exp3A_745 = math.exp %sub3A_744 : vector<128x125xf32>
    %reduce_sum3A_746 = arith.constant dense<0.000000e+00> : vector<128xf32>
    %reduce_sum3A_747 = vector.multi_reduction <add>, %exp3A_745, %reduce_sum3A_746 [1] : vector<128x125xf32> to vector<128xf32>
    %broadcast_in_dim3A_748 = vector.shape_cast %reduce_sum3A_747 : vector<128xf32> to vector<128x1xf32>
    %mul3A_749 = arith.mulf %slice3A_738, %exp3A_745 : vector<128x125xf32>
    %reduce_sum3A_750 = arith.constant dense<0.000000e+00> : vector<128xf32>
    %reduce_sum3A_751 = vector.multi_reduction <add>, %mul3A_749, %reduce_sum3A_750 [1] : vector<128x125xf32> to vector<128xf32>
    %broadcast_in_dim3A_752 = vector.shape_cast %reduce_sum3A_751 : vector<128xf32> to vector<128x1xf32>
    %reduce_max3A_753 = arith.constant dense<0xFF800000> : vector<128xf32>
    %reduce_max3A_754 = vector.multi_reduction <maximumf>, %slice3A_739, %reduce_max3A_753 [1] : vector<128x125xf32> to vector<128xf32>
    %broadcast_in_dim3A_755 = vector.shape_cast %reduce_max3A_754 : vector<128xf32> to vector<128x1xf32>
    %iota3A_756 = tpu.iota {dimensions = array<i32: 1>} : vector<128x125xi32>
    %add3A_757 = arith.constant 750 : i32
    %add3A_758 = vector.broadcast %add3A_757 : i32 to vector<128x125xi32>
    %add3A_759 = arith.addi %add3A_758, %iota3A_756 : vector<128x125xi32>
    %eq3A_760 = vector.broadcast %broadcast_in_dim3A_755 : vector<128x1xf32> to vector<128x125xf32>
    %eq3A_761 = arith.cmpf oeq, %slice3A_739, %eq3A_760 : vector<128x125xf32>
    %jit3A_762 = arith.constant 1073741824 : i32
    %broadcast_in_dim3A_763 = vector.broadcast %jit3A_762 : i32 to vector<128x125xi32>
    %select_n3A_764 = arith.select %eq3A_761, %add3A_759, %broadcast_in_dim3A_763 : vector<128x125xi1>, vector<128x125xi32>
    %reduce_min3A_765 = arith.constant dense<2147483647> : vector<128xi32>
    %reduce_min3A_766 = vector.multi_reduction <minsi>, %select_n3A_764, %reduce_min3A_765 [1] : vector<128x125xi32> to vector<128xi32>
    %broadcast_in_dim3A_767 = vector.shape_cast %reduce_min3A_766 : vector<128xi32> to vector<128x1xi32>
    %eq3A_768 = vector.broadcast %broadcast_in_dim3A_767 : vector<128x1xi32> to vector<128x125xi32>
    %eq3A_769 = arith.cmpi eq, %add3A_759, %eq3A_768 : vector<128x125xi32>
    %jit3A_770 = arith.constant 0.000000e+00 : f32
    %broadcast_in_dim3A_771 = vector.broadcast %jit3A_770 : f32 to vector<128x125xf32>
    %select_n3A_772 = arith.select %eq3A_769, %slice3A_738, %broadcast_in_dim3A_771 : vector<128x125xi1>, vector<128x125xf32>
    %reduce_sum3A_773 = arith.constant dense<0.000000e+00> : vector<128xf32>
    %reduce_sum3A_774 = vector.multi_reduction <add>, %select_n3A_772, %reduce_sum3A_773 [1] : vector<128x125xf32> to vector<128xf32>
    %broadcast_in_dim3A_775 = vector.shape_cast %reduce_sum3A_774 : vector<128xf32> to vector<128x1xf32>
    %squeeze3A_776 = vector.shape_cast %broadcast_in_dim3A_742 : vector<128x1xf32> to vector<128xf32>
    %swap3A_777 = arith.constant 6 : index
    %swap3A_778 = arith.constant 0 : index
    %swap3A_779 = arith.constant 0 : index
    %swap3A_780 = vector.load %arg4[%swap3A_777, %swap3A_778, %swap3A_779] : memref<8x8x128xf32, #tpu.memory_space<vmem>>, vector<1x1x128xf32>
    %swap3A_781 = vector.shape_cast %swap3A_780 : vector<1x1x128xf32> to vector<128xf32>
    %swap3A_782 = vector.shape_cast %squeeze3A_776 : vector<128xf32> to vector<1x1x128xf32>
    tpu.vector_store %arg4[%swap3A_777, %swap3A_778, %swap3A_779], %swap3A_782 {strides = array<i32>} : memref<8x8x128xf32, #tpu.memory_space<vmem>>, vector<1x1x128xf32>,
    %squeeze3A_783 = vector.shape_cast %broadcast_in_dim3A_748 : vector<128x1xf32> to vector<128xf32>
    %swap3A_784 = arith.constant 6 : index
    %swap3A_785 = arith.constant 1 : index
    %swap3A_786 = arith.constant 0 : index
    %swap3A_787 = vector.load %arg4[%swap3A_784, %swap3A_785, %swap3A_786] : memref<8x8x128xf32, #tpu.memory_space<vmem>>, vector<1x1x128xf32>
    %swap3A_788 = vector.shape_cast %swap3A_787 : vector<1x1x128xf32> to vector<128xf32>
    %swap3A_789 = vector.shape_cast %squeeze3A_783 : vector<128xf32> to vector<1x1x128xf32>
    tpu.vector_store %arg4[%swap3A_784, %swap3A_785, %swap3A_786], %swap3A_789 {strides = array<i32>} : memref<8x8x128xf32, #tpu.memory_space<vmem>>, vector<1x1x128xf32>,
    %squeeze3A_790 = vector.shape_cast %broadcast_in_dim3A_752 : vector<128x1xf32> to vector<128xf32>
    %swap3A_791 = arith.constant 6 : index
    %swap3A_792 = arith.constant 2 : index
    %swap3A_793 = arith.constant 0 : index
    %swap3A_794 = vector.load %arg4[%swap3A_791, %swap3A_792, %swap3A_793] : memref<8x8x128xf32, #tpu.memory_space<vmem>>, vector<1x1x128xf32>
    %swap3A_795 = vector.shape_cast %swap3A_794 : vector<1x1x128xf32> to vector<128xf32>
    %swap3A_796 = vector.shape_cast %squeeze3A_790 : vector<128xf32> to vector<1x1x128xf32>
    tpu.vector_store %arg4[%swap3A_791, %swap3A_792, %swap3A_793], %swap3A_796 {strides = array<i32>} : memref<8x8x128xf32, #tpu.memory_space<vmem>>, vector<1x1x128xf32>,
    %squeeze3A_797 = vector.shape_cast %broadcast_in_dim3A_755 : vector<128x1xf32> to vector<128xf32>
    %swap3A_798 = arith.constant 6 : index
    %swap3A_799 = arith.constant 3 : index
    %swap3A_800 = arith.constant 0 : index
    %swap3A_801 = vector.load %arg4[%swap3A_798, %swap3A_799, %swap3A_800] : memref<8x8x128xf32, #tpu.memory_space<vmem>>, vector<1x1x128xf32>
    %swap3A_802 = vector.shape_cast %swap3A_801 : vector<1x1x128xf32> to vector<128xf32>
    %swap3A_803 = vector.shape_cast %squeeze3A_797 : vector<128xf32> to vector<1x1x128xf32>
    tpu.vector_store %arg4[%swap3A_798, %swap3A_799, %swap3A_800], %swap3A_803 {strides = array<i32>} : memref<8x8x128xf32, #tpu.memory_space<vmem>>, vector<1x1x128xf32>,
    %squeeze3A_804 = vector.shape_cast %broadcast_in_dim3A_775 : vector<128x1xf32> to vector<128xf32>
    %swap3A_805 = arith.constant 6 : index
    %swap3A_806 = arith.constant 4 : index
    %swap3A_807 = arith.constant 0 : index
    %swap3A_808 = vector.load %arg4[%swap3A_805, %swap3A_806, %swap3A_807] : memref<8x8x128xf32, #tpu.memory_space<vmem>>, vector<1x1x128xf32>
    %swap3A_809 = vector.shape_cast %swap3A_808 : vector<1x1x128xf32> to vector<128xf32>
    %swap3A_810 = vector.shape_cast %squeeze3A_804 : vector<128xf32> to vector<1x1x128xf32>
    tpu.vector_store %arg4[%swap3A_805, %swap3A_806, %swap3A_807], %swap3A_810 {strides = array<i32>} : memref<8x8x128xf32, #tpu.memory_space<vmem>>, vector<1x1x128xf32>,
    %squeeze3A_811 = vector.shape_cast %broadcast_in_dim3A_767 : vector<128x1xi32> to vector<128xi32>
    %convert_element_type3A_812 = arith.sitofp %squeeze3A_811 : vector<128xi32> to vector<128xf32>
    %swap3A_813 = arith.constant 6 : index
    %swap3A_814 = arith.constant 5 : index
    %swap3A_815 = arith.constant 0 : index
    %swap3A_816 = vector.load %arg4[%swap3A_813, %swap3A_814, %swap3A_815] : memref<8x8x128xf32, #tpu.memory_space<vmem>>, vector<1x1x128xf32>
    %swap3A_817 = vector.shape_cast %swap3A_816 : vector<1x1x128xf32> to vector<128xf32>
    %swap3A_818 = vector.shape_cast %convert_element_type3A_812 : vector<128xf32> to vector<1x1x128xf32>
    tpu.vector_store %arg4[%swap3A_813, %swap3A_814, %swap3A_815], %swap3A_818 {strides = array<i32>} : memref<8x8x128xf32, #tpu.memory_space<vmem>>, vector<1x1x128xf32>,
    %slice3A_819 = vector.extract_strided_slice %add3A_262 {offsets = [0, 875], sizes = [128, 125], strides = [1, 1]} : vector<128x1000xf32> to vector<128x125xf32>
    %slice3A_820 = vector.extract_strided_slice %add3A_266 {offsets = [0, 875], sizes = [128, 125], strides = [1, 1]} : vector<128x1000xf32> to vector<128x125xf32>
    %reduce_max3A_821 = arith.constant dense<0xFF800000> : vector<128xf32>
    %reduce_max3A_822 = vector.multi_reduction <maximumf>, %slice3A_819, %reduce_max3A_821 [1] : vector<128x125xf32> to vector<128xf32>
    %broadcast_in_dim3A_823 = vector.shape_cast %reduce_max3A_822 : vector<128xf32> to vector<128x1xf32>
    %sub3A_824 = vector.broadcast %broadcast_in_dim3A_823 : vector<128x1xf32> to vector<128x125xf32>
    %sub3A_825 = arith.subf %slice3A_819, %sub3A_824 : vector<128x125xf32>
    %exp3A_826 = math.exp %sub3A_825 : vector<128x125xf32>
    %reduce_sum3A_827 = arith.constant dense<0.000000e+00> : vector<128xf32>
    %reduce_sum3A_828 = vector.multi_reduction <add>, %exp3A_826, %reduce_sum3A_827 [1] : vector<128x125xf32> to vector<128xf32>
    %broadcast_in_dim3A_829 = vector.shape_cast %reduce_sum3A_828 : vector<128xf32> to vector<128x1xf32>
    %mul3A_830 = arith.mulf %slice3A_819, %exp3A_826 : vector<128x125xf32>
    %reduce_sum3A_831 = arith.constant dense<0.000000e+00> : vector<128xf32>
    %reduce_sum3A_832 = vector.multi_reduction <add>, %mul3A_830, %reduce_sum3A_831 [1] : vector<128x125xf32> to vector<128xf32>
    %broadcast_in_dim3A_833 = vector.shape_cast %reduce_sum3A_832 : vector<128xf32> to vector<128x1xf32>
    %reduce_max3A_834 = arith.constant dense<0xFF800000> : vector<128xf32>
    %reduce_max3A_835 = vector.multi_reduction <maximumf>, %slice3A_820, %reduce_max3A_834 [1] : vector<128x125xf32> to vector<128xf32>
    %broadcast_in_dim3A_836 = vector.shape_cast %reduce_max3A_835 : vector<128xf32> to vector<128x1xf32>
    %iota3A_837 = tpu.iota {dimensions = array<i32: 1>} : vector<128x125xi32>
    %add3A_838 = arith.constant 875 : i32
    %add3A_839 = vector.broadcast %add3A_838 : i32 to vector<128x125xi32>
    %add3A_840 = arith.addi %add3A_839, %iota3A_837 : vector<128x125xi32>
    %eq3A_841 = vector.broadcast %broadcast_in_dim3A_836 : vector<128x1xf32> to vector<128x125xf32>
    %eq3A_842 = arith.cmpf oeq, %slice3A_820, %eq3A_841 : vector<128x125xf32>
    %jit3A_843 = arith.constant 1073741824 : i32
    %broadcast_in_dim3A_844 = vector.broadcast %jit3A_843 : i32 to vector<128x125xi32>
    %select_n3A_845 = arith.select %eq3A_842, %add3A_840, %broadcast_in_dim3A_844 : vector<128x125xi1>, vector<128x125xi32>
    %reduce_min3A_846 = arith.constant dense<2147483647> : vector<128xi32>
    %reduce_min3A_847 = vector.multi_reduction <minsi>, %select_n3A_845, %reduce_min3A_846 [1] : vector<128x125xi32> to vector<128xi32>
    %broadcast_in_dim3A_848 = vector.shape_cast %reduce_min3A_847 : vector<128xi32> to vector<128x1xi32>
    %eq3A_849 = vector.broadcast %broadcast_in_dim3A_848 : vector<128x1xi32> to vector<128x125xi32>
    %eq3A_850 = arith.cmpi eq, %add3A_840, %eq3A_849 : vector<128x125xi32>
    %jit3A_851 = arith.constant 0.000000e+00 : f32
    %broadcast_in_dim3A_852 = vector.broadcast %jit3A_851 : f32 to vector<128x125xf32>
    %select_n3A_853 = arith.select %eq3A_850, %slice3A_819, %broadcast_in_dim3A_852 : vector<128x125xi1>, vector<128x125xf32>
    %reduce_sum3A_854 = arith.constant dense<0.000000e+00> : vector<128xf32>
    %reduce_sum3A_855 = vector.multi_reduction <add>, %select_n3A_853, %reduce_sum3A_854 [1] : vector<128x125xf32> to vector<128xf32>
    %broadcast_in_dim3A_856 = vector.shape_cast %reduce_sum3A_855 : vector<128xf32> to vector<128x1xf32>
    %squeeze3A_857 = vector.shape_cast %broadcast_in_dim3A_823 : vector<128x1xf32> to vector<128xf32>
    %swap3A_858 = arith.constant 7 : index
    %swap3A_859 = arith.constant 0 : index
    %swap3A_860 = arith.constant 0 : index
    %swap3A_861 = vector.load %arg4[%swap3A_858, %swap3A_859, %swap3A_860] : memref<8x8x128xf32, #tpu.memory_space<vmem>>, vector<1x1x128xf32>
    %swap3A_862 = vector.shape_cast %swap3A_861 : vector<1x1x128xf32> to vector<128xf32>
    %swap3A_863 = vector.shape_cast %squeeze3A_857 : vector<128xf32> to vector<1x1x128xf32>
    tpu.vector_store %arg4[%swap3A_858, %swap3A_859, %swap3A_860], %swap3A_863 {strides = array<i32>} : memref<8x8x128xf32, #tpu.memory_space<vmem>>, vector<1x1x128xf32>,
    %squeeze3A_864 = vector.shape_cast %broadcast_in_dim3A_829 : vector<128x1xf32> to vector<128xf32>
    %swap3A_865 = arith.constant 7 : index
    %swap3A_866 = arith.constant 1 : index
    %swap3A_867 = arith.constant 0 : index
    %swap3A_868 = vector.load %arg4[%swap3A_865, %swap3A_866, %swap3A_867] : memref<8x8x128xf32, #tpu.memory_space<vmem>>, vector<1x1x128xf32>
    %swap3A_869 = vector.shape_cast %swap3A_868 : vector<1x1x128xf32> to vector<128xf32>
    %swap3A_870 = vector.shape_cast %squeeze3A_864 : vector<128xf32> to vector<1x1x128xf32>
    tpu.vector_store %arg4[%swap3A_865, %swap3A_866, %swap3A_867], %swap3A_870 {strides = array<i32>} : memref<8x8x128xf32, #tpu.memory_space<vmem>>, vector<1x1x128xf32>,
    %squeeze3A_871 = vector.shape_cast %broadcast_in_dim3A_833 : vector<128x1xf32> to vector<128xf32>
    %swap3A_872 = arith.constant 7 : index
    %swap3A_873 = arith.constant 2 : index
    %swap3A_874 = arith.constant 0 : index
    %swap3A_875 = vector.load %arg4[%swap3A_872, %swap3A_873, %swap3A_874] : memref<8x8x128xf32, #tpu.memory_space<vmem>>, vector<1x1x128xf32>
    %swap3A_876 = vector.shape_cast %swap3A_875 : vector<1x1x128xf32> to vector<128xf32>
    %swap3A_877 = vector.shape_cast %squeeze3A_871 : vector<128xf32> to vector<1x1x128xf32>
    tpu.vector_store %arg4[%swap3A_872, %swap3A_873, %swap3A_874], %swap3A_877 {strides = array<i32>} : memref<8x8x128xf32, #tpu.memory_space<vmem>>, vector<1x1x128xf32>,
    %squeeze3A_878 = vector.shape_cast %broadcast_in_dim3A_836 : vector<128x1xf32> to vector<128xf32>
    %swap3A_879 = arith.constant 7 : index
    %swap3A_880 = arith.constant 3 : index
    %swap3A_881 = arith.constant 0 : index
    %swap3A_882 = vector.load %arg4[%swap3A_879, %swap3A_880, %swap3A_881] : memref<8x8x128xf32, #tpu.memory_space<vmem>>, vector<1x1x128xf32>
    %swap3A_883 = vector.shape_cast %swap3A_882 : vector<1x1x128xf32> to vector<128xf32>
    %swap3A_884 = vector.shape_cast %squeeze3A_878 : vector<128xf32> to vector<1x1x128xf32>
    tpu.vector_store %arg4[%swap3A_879, %swap3A_880, %swap3A_881], %swap3A_884 {strides = array<i32>} : memref<8x8x128xf32, #tpu.memory_space<vmem>>, vector<1x1x128xf32>,
    %squeeze3A_885 = vector.shape_cast %broadcast_in_dim3A_856 : vector<128x1xf32> to vector<128xf32>
    %swap3A_886 = arith.constant 7 : index
    %swap3A_887 = arith.constant 4 : index
    %swap3A_888 = arith.constant 0 : index
    %swap3A_889 = vector.load %arg4[%swap3A_886, %swap3A_887, %swap3A_888] : memref<8x8x128xf32, #tpu.memory_space<vmem>>, vector<1x1x128xf32>
    %swap3A_890 = vector.shape_cast %swap3A_889 : vector<1x1x128xf32> to vector<128xf32>
    %swap3A_891 = vector.shape_cast %squeeze3A_885 : vector<128xf32> to vector<1x1x128xf32>
    tpu.vector_store %arg4[%swap3A_886, %swap3A_887, %swap3A_888], %swap3A_891 {strides = array<i32>} : memref<8x8x128xf32, #tpu.memory_space<vmem>>, vector<1x1x128xf32>,
    %squeeze3A_892 = vector.shape_cast %broadcast_in_dim3A_848 : vector<128x1xi32> to vector<128xi32>
    %convert_element_type3A_893 = arith.sitofp %squeeze3A_892 : vector<128xi32> to vector<128xf32>
    %swap3A_894 = arith.constant 7 : index
    %swap3A_895 = arith.constant 5 : index
    %swap3A_896 = arith.constant 0 : index
    %swap3A_897 = vector.load %arg4[%swap3A_894, %swap3A_895, %swap3A_896] : memref<8x8x128xf32, #tpu.memory_space<vmem>>, vector<1x1x128xf32>
    %swap3A_898 = vector.shape_cast %swap3A_897 : vector<1x1x128xf32> to vector<128xf32>
    %swap3A_899 = vector.shape_cast %convert_element_type3A_893 : vector<128xf32> to vector<1x1x128xf32>
    tpu.vector_store %arg4[%swap3A_894, %swap3A_895, %swap3A_896], %swap3A_899 {strides = array<i32>} : memref<8x8x128xf32, #tpu.memory_space<vmem>>, vector<1x1x128xf32>,
    return
  }
}

</mosaic_0001>

<sc_bundles>
// kernel: kernel.4.cloned.1.call-start
scs
__scs_entry_jumppad:
0x0: {  	(pc) =	sbr.rel $0x88, $3  }
0x1: {  	(tag) =	ssettag $0x0;
	lr =	simm.s32 $0x1  }
0x2: {  	[smem:$0x3F9E] =	sst lr;
	_ =	strace $0xD0000000  }
0x3: {  	_ = 	snop  }
0x4: {  	_ = 	snop  }
0x5: {  	_ = 	snop  }
0x6: {  	_ = 	snop  }
0x7: {  	_ = 	snop  }
__scs_overlays_trampoline_lowered:
0x8: {  	[smem:$0x3FAD] =	sst s0  }
0x9: {  	[smem:$0x3FAE] =	sst s1  }
0xa: {  	[smem:$0x3FAF] =	sst s2  }
0xb: {  	[smem:$0x3FB0] =	sst s3  }
0xc: {  	[smem:$0x3FB1] =	sst s4  }
0xd: {  	[smem:$0x3FB2] =	sst s5  }
0xe: {  	[smem:$0x3FB3] =	sst s6  }
0xf: {  	[smem:$0x3FB4] =	sst s7  }
0x10: {  	[smem:$0x3FB5] =	sst s8  }
0x11: {  	[smem:$0x3FB6] =	sst s9;
	s0 =	simm.s32 @!p0 $0x0  }
0x12: {  	s1 =	sld [smem:$0x3F9C];
	s0 =	simm.s32 @p0 $0x1  }
0x13: {  	[smem:$0x3FB7] =	sst s0;
	s0 =	simm.s32 @!p1 $0x0  }
0x14: {  	s2 =	sld [smem:$0x3F9B];
	s0 =	simm.s32 @p1 $0x1  }
0x15: {  	[smem:$0x3FB8] =	sst s0;
	s0 =	simm.s32 @!p2 $0x0  }
0x16: {  	s3 =	sld [smem:$0x3FDB];
	s0 =	simm.s32 @p2 $0x1  }
0x17: {  	s4 =	simm.s32 $0x1BF5;
	[smem:$0x3FBA] =	sst s0  }
0x18: {  	s0 =	sld [smem:$0x3F9D];
	_ =	swait.ge [sflag:s4], $0x0  }
0x19: {  	s7 =	sld [smem:$0x3F9E]  }
0x1a: {  	s8 =	sadd.s32 $0xFFFFE003, lr  }
0x1b: {  	s9 =	sadd.s32 $0xFFFFFEF7, lr;
	s5 =	simm.s32 $0xFFFFFFFF;
	p2 =	slt.u32 s8, $0xFFFFF086  }
0x1c: {  	p1 =	slt.u32 s9, $0xF7A;
	s5 =	simm.s32 @!p2 $0x0  }
0x1d: {  	s5 =	simm.s32 @p1 $0x1;
	p0 =	seq.s32 s7, s2  }
0x1e: {  	s7 =	smul.u32 @!p0 $0xF7A, s2;
	p2 =	seq.s32 @!p0 s5, $0x0  }
0x1f: {  	s9 =	smul.u32 $0xF7A, s1;
	s8 =	simm.s32 @!p0 $0x1BF5;
	p2 =	por !p2, p0  }
0x20: {  	[sflag:s8] =	ssyncset.s32 @!p0 $0xFFFFF086;
	s6 =	sadd.s32 @!p0 s3, s7;
	s7 =	simm.s32 @!p0 $0x108  }
0x21: {  	s3 =	sadd.s32 s3, s9;
	s6 =	sadd.s32 @!p0 $0x88, s6;
	s7 =	simm.s32 @p2 $0x1082  }
0x22: {  	[simem:s7], [sflag:s8] =	dma.local @!p0 [hbm:s6], $0xF7A  }
0x23: {  	s9 =	sor.u32 $0xD0000000, s2;
	s6 =	simm.s32 $0x108;
	_ =	swait.ge @!p0 [sflag:s8], $0x0  }
0x24: {  	s3 =	sadd.s32 $0x88, s3;
	s6 =	simm.s32 @!p1 $0x1082;
	[sflag:s4] =	ssyncset.s32 $0xFFFFF086  }
0x25: {  	[simem:s6], [sflag:s4] =	dma.local [hbm:s3], $0xF7A  }
0x26: {  	[smem:$0x3F9E] =	sst s1;
	(tag) =	ssettag s2;
	_ =	strace s9  }
0x27: {  	s1 =	sld [smem:$0x3FAE]  }
0x28: {  	s2 =	sld [smem:$0x3FAF]  }
0x29: {  	s4 =	sld [smem:$0x3FB1]  }
0x2a: {  	p0 =	seq.s32 s5, $0x0;
	s5 =	sld [smem:$0x3FB2]  }
0x2b: {  	s6 =	sld [smem:$0x3FB3]  }
0x2c: {  	s7 =	sld [smem:$0x3FB4]  }
0x2d: {  	s3 =	simm.s32 $0x108;
	s8 =	sld [smem:$0x3FB5]  }
0x2e: {  	s3 =	simm.s32 @!p0 $0x1082;
	s9 =	sld [smem:$0x3FB6]  }
0x2f: {  	lr =	sadd.s32 s0, s3;
	s0 =	sld [smem:$0x3FAD]  }
0x30: {  	s3 =	sld [smem:$0x3FB0]  }
0x31: {  	[smem:$0x3FB9] =	sst s10  }
0x32: {  	s10 =	sld [smem:$0x3FB7];
	_ =	sdelay $0x3  }
0x33: {  	p0 =	seq.s32 s10, $0x1;
	s10 =	sld [smem:$0x3FB9];
	_ =	sdelay $0x3  }
0x34: {  	[smem:$0x3FB9] =	sst s10  }
0x35: {  	s10 =	sld [smem:$0x3FB8];
	_ =	sdelay $0x3  }
0x36: {  	p1 =	seq.s32 s10, $0x1;
	s10 =	sld [smem:$0x3FB9];
	_ =	sdelay $0x3  }
0x37: {  	[smem:$0x3FB9] =	sst s10  }
0x38: {  	s10 =	sld [smem:$0x3FBA]  }
0x39: {  	_ = 	snop;
	(pc) =	sbr.ind lr, $3  }
0x3a: {  	_ = 	snop  }
0x3b: {  	_ = 	snop  }
0x3c: {  	p2 =	seq.s32 s10, $0x1;
	s10 =	sld [smem:$0x3FB9]  }
0x3d: {  	_ =	shalt  }
0x3e: {  	_ =	shalt  }
0x3f: {  	_ =	shalt  }
0x40: {  	_ =	shalt  }
0x41: {  	_ =	shalt  }
0x42: {  	_ =	shalt  }
0x43: {  	_ =	shalt  }
0x44: {  	_ =	shalt  }
0x45: {  	_ =	shalt  }
0x46: {  	_ =	shalt  }
0x47: {  	_ =	shalt  }
0x48: {  	_ =	shalt  }
0x49: {  	_ =	shalt  }
0x4a: {  	_ =	shalt  }
0x4b: {  	_ =	shalt  }
0x4c: {  	_ =	shalt  }
0x4d: {  	_ =	shalt  }
0x4e: {  	_ =	shalt  }
0x4f: {  	_ =	shalt  }
0x50: {  	_ =	shalt  }
0x51: {  	_ =	shalt  }
0x52: {  	_ =	shalt  }
0x53: {  	_ =	shalt  }
0x54: {  	_ =	shalt  }
0x55: {  	_ =	shalt  }
0x56: {  	_ =	shalt  }
0x57: {  	_ =	shalt  }
0x58: {  	_ =	shalt  }
0x59: {  	_ =	shalt  }
0x5a: {  	_ =	shalt  }
0x5b: {  	_ =	shalt  }
0x5c: {  	_ =	shalt  }
0x5d: {  	_ =	shalt  }
0x5e: {  	_ =	shalt  }
0x5f: {  	_ =	shalt  }
0x60: {  	_ =	shalt  }
0x61: {  	_ =	shalt  }
0x62: {  	_ =	shalt  }
0x63: {  	_ =	shalt  }
0x64: {  	_ =	shalt  }
0x65: {  	_ =	shalt  }
0x66: {  	_ =	shalt  }
0x67: {  	_ =	shalt  }
0x68: {  	_ =	shalt  }
0x69: {  	_ =	shalt  }
0x6a: {  	_ =	shalt  }
0x6b: {  	_ =	shalt  }
0x6c: {  	_ =	shalt  }
0x6d: {  	_ =	shalt  }
0x6e: {  	_ =	shalt  }
0x6f: {  	_ =	shalt  }
0x70: {  	_ =	shalt  }
0x71: {  	_ =	shalt  }
0x72: {  	_ =	shalt  }
0x73: {  	_ =	shalt  }
0x74: {  	_ =	shalt  }
0x75: {  	_ =	shalt  }
0x76: {  	_ =	shalt  }
0x77: {  	_ =	shalt  }
0x78: {  	_ =	shalt  }
0x79: {  	_ =	shalt  }
0x7a: {  	_ =	shalt  }
0x7b: {  	_ =	shalt  }
0x7c: {  	_ =	shalt  }
0x7d: {  	_ =	shalt  }
0x7e: {  	_ =	shalt  }
0x7f: {  	_ =	shalt  }
0x80: {  	_ =	shalt  }
0x81: {  	_ =	shalt  }
0x82: {  	_ =	shalt  }
0x83: {  	_ =	shalt  }
0x84: {  	_ =	shalt  }
0x85: {  	_ =	shalt  }
0x86: {  	_ =	shalt  }
0x87: {  	_ =	shalt  }
.Lfunc_end0:
.L_simem_size_0:
called_computation_lowered:
.L_overlay_start_0:
0x88: {  	s2 =	sld [smem:$0x3FD9]  }
0x89: {  	s3 =	sld [smem:$0x3FFE];
	_ =	sdelay $0x1  }
0x8a: {  	s1 =	srdreg.scid  }
0x8b: {  	s0 =	sand.u32 $0x1, s1  }
0x8c: {  	s14 =	sshll.u32 s0, $0xA;
	s2 =	sadd.s32 s3, s2  }
0x8d: {  	s2 =	sadd.s32 s2, s14  }
0x8e: {  	[smem:$0x3FC5] =	sst s2  }
0x8f: {  	_ = 	snop  }
0x90: {  	s2 =	sld [smem:$0x3FD0];
	_ =	sdelay $0x2  }
0x91: {  	s15 =	simm.s32 $0xA;
	s4 =	simm.s32 $0x10  }
0x92: {  	[smem:s4], [sflag:s15] =	dma.local [hbm:s2], $0x1  }
0x93: {  	_ =	swait.eq [sflag:s15], $0x1  }
0x94: {  	s16 =	sld [smem:$0x10];
	[sflag:s15] =	ssyncset.done $0x0  }
0x95: {  	s17 =	sld [smem:$0x11];
	[sflag:s15] =	ssyncadd.s32 $0xFFFFFFFF  }
0x96: {  	s18 =	sld [smem:$0x12];
	(tm) =	ssettm $0x1  }
0x97: {  	s5 =	sld [smem:$0x3FFB];
	_ =	sdelay $0x3  }
0x98: {  	_ =	strace s5  }
0x99: {  	s5 =	sld [smem:$0x3FFC];
	_ =	sdelay $0x3  }
0x9a: {  	_ =	strace s5  }
0x9b: {  	s5 =	sld [smem:$0x3FFD];
	_ =	sdelay $0x3  }
0x9c: {  	_ =	strace s5  }
0x9d: {  	_ =	strace $0x8FFFFFFF  }
0x9e: {  	s19 =	sld [smem:$0x3FDB];
	_ =	sdelay $0x1  }
0x9f: {  	s6 =	simm.s32 $_scs_section_size  }
0xa0: {  	s7 =	simm.s32 $_size__tile_overlayer_lowered;
	s8 =	simm.s32 $_tile_overlayer_lowered  }
0xa1: {  	s22 =	simm.s32 $0x1BFF;
	s21 =	sshll.u32 s8, $0x1;
	s5 =	sadd.s32 s6, s19  }
0xa2: {  	s9 =	simm.s32 $0x0;
	s20 =	sshll.u32 s7, $0x1;
	s7 =	sadd.s32 s21, s5  }
0xa3: {  	[timem:s9], [sflag:s22] =	dma.local [hbm:s7], s20  }
0xa4: {  	_ =	swait.ge [sflag:s22], s20  }
0xa5: {  	s6 =	ssub.s32 $0x0, s20;
	[sflag:s22] =	ssyncset.done $0x0  }
0xa6: {  	[sflag:s22] =	ssyncadd.s32 s6;
	_ =	sdelay $0x1  }
0xa7: {  	s23 =	simm.s32 $0x1B8B  }
0xa8: {  	_ =	swait.ge [sflag:s23], $0x1  }
0xa9: {  	[sflag:s23] =	ssyncset.done $0x0  }
0xaa: {  	s25 =	simm.s32 $0x1B8E;
	s24 =	sld [smem:$0x3FFE];
	[sflag:s23] =	ssyncadd.s32 $0xFFFFFFFF  }
0xab: {  	s26 =	simm.s32 $execute0_lowered;
	[smem:$0x3FD2] =	sst s25  }
0xac: {  	s7 =	sshll.u32 s26, $0x1;
	_ =	strace $0x80000046;
	[dreg:$0x1] =	wrdreg $0xFFFFFFFF  }
0xad: {  	s28 =	simm.s32 $_size_execute0_lowered;
	s5 =	sadd.s32 s5, s7;
	[dreg:$0x0] =	wrdreg $0x0  }
0xae: {  	s7 =	sshll.u32 s28, $0x1;
	[dreg:$0x2] =	wrdreg s5  }
0xaf: {  	[dreg:$0x3] =	wrdreg s7  }
0xb0: {  	[dreg:$0x4] =	wrdreg $0xC0  }
0xb1: {  	_ =	task [dreg:s9], $0x5FFFF  }
0xb2: {  	[dreg:$0x1] =	wrdreg $0xFFFFFFFF  }
0xb3: {  	[dreg:$0x0] =	wrdreg $0x60  }
0xb4: {  	[dreg:$0x2] =	wrdreg s24  }
0xb5: {  	[dreg:$0x3] =	wrdreg s16  }
0xb6: {  	[dreg:$0x4] =	wrdreg s17  }
0xb7: {  	[dreg:$0x5] =	wrdreg s18  }
0xb8: {  	[dreg:$0x6] =	wrdreg $0x9  }
0xb9: {  	_ =	task.clear_ibuf [dreg:s9], $0x7FFFF;
	_ =	strace $0x90000046  }
0xba: {  	s29 =	simm.s32 $0x9;
	_ =	strace $0x80000048  }
0xbb: {  	_ =	swait.ge [sflag:s29], $0x1  }
0xbc: {  	[sflag:s29] =	ssyncadd.s32 $0xFFFFFFFF  }
0xbd: {  	_ =	strace $0x90000048  }
0xbe: {  	_ =	sfence  }
0xbf: {  	s30 =	sld [smem:$0x0];
	_ =	sdelay $0x2  }
0xc0: {  	s31 =	sshll.u32 s1, $0xD;
	s1 =	sshrl.u32 s1, $0x2  }
0xc1: {  	s3 =	sand.u32 $0x4000, s31;
	s1 =	sadd.s32 s1, s30  }
0xc2: {  	s0 =	sor.u32 s3, s0;
	s1 =	sshll.u32 s1, $0x11  }
0xc3: {  	s0 =	sor.u32 s1, s0  }
0xc4: {  	s0 =	sadd.s32 $0x8F2B, s0  }
0xc5: {  	[sflag:s0] =	ssyncadd.remote.s32 $0x1  }
0xc6: {  	_ =	sfence.sel $0xFFFF  }
0xc7: {  	[dreg:$0x0] =	wrdreg $0xFFFFFFFF;
	(pc) =	sbr.abs _section_cstart, $3  }
0xc8: {  	[dreg:$0x1] =	wrdreg $0xFFFFFFFF  }
0xc9: {  	_ =	task.clear_ibuf [dreg:s9], $0x2FFFF;
	_ =	strace $0x9FFFFFFF  }
0xca: {  	(tm) =	ssettm $0x7FFFFFFF  }
0xcb: {  	_ =	shalt  }
tec
execute0_lowered:
.L_overlay_start_1:
0x0: {  	(tag) =	ssettag $0x1  }
0x1: {  	s1 =	stileid.u32  }
0x2: {  	s3 =	rddreg [dreg:$0x0];
	p0 =	sgt.u32 s1, $0x3  }
.Ltmp0:
0x3: {  	s6 =	rddreg [dreg:$0x1];
	(pc) =	sbr.rel @p0 .LBB2_4-.Ltmp0, $4  }
0x4: {  	s8 =	rddreg [dreg:$0x2]  }
0x5: {  	s10 =	rddreg [dreg:$0x3];
	s2 =	simm.s32 $0x0  }
0x6: {  	[smem:$0x7FF] =	sst s2  }
0x7: {  	s0 =	rddreg [dreg:$0x4];
	_ =	strace $0x80000047  }
0x8: {  	s4 =	sadd.s32 $0x80600, s3;
	s5 =	srdreg.scid;
	s3 =	simm.s32 $0x1  }
0x9: {  	[tilespmem:s2], [sflag:$0x1] =	stream.linear.gather [hbm4b:s4+s2], $0x2000, $0x38;
	[tilespmem:$0x2180] =	vst v63  }
0xa: {  	s31 =	sshll.u32 s1, $0x1;
	s9 =	sand.u32 $0x1, s5;
	_ =	swait.ge [sflag:s3], $0x2000  }
0xb: {  	s7 =	sor.u32 s9, s31;
	[sflag:s3] =	ssyncset.done $0x0  }
0xc: {  	s5 =	sshll.u32 s7, $0x4;
	[sflag:s3] =	ssyncadd.s32 $0xFFFFE000  }
0xd: {  	v0 =	vld [tilespmem:s5+$0x0]  }
0xe: {  	v1 =	vld [tilespmem:s5+$0x400];
	_ =	sdelay $0x2  }
0xf: {  	v2 =	vld [tilespmem:s5+$0x800];
	_ =	sdelay $0x1  }
0x10: {  	v3 =	vmax.f32 v0, v1  }
0x11: {  	v4 =	vld [tilespmem:s5+$0xC00];
	v0 =	vsub.f32 v0, v3  }
0x12: {  	v1 =	vsub.f32 v1, v3  }
0x13: {  	v5 =	vld [tilespmem:s5+$0x1000];
	v6 =	vmax.f32 v3, v2;
	v0 =	vmul.f32 $1.442695020e+00, v0  }
0x14: {  	v2 =	vsub.f32 v2, v6;
	v1 =	vmul.f32 $1.442695020e+00, v1  }
0x15: {  	(erf) = vpow2.f32 v0;
	v0 =	vsub.f32 v3, v6  }
0x16: {  	v2 =	vmul.f32 $1.442695020e+00, v2;
	(erf) = vpow2.f32 v1;
	v1 =	vmax.f32 v6, v4  }
0x17: {  	v3 =	vld [tilespmem:s5+$0x1400];
	v0 =	vmul.f32 $1.442695020e+00, v0;
	v4 =	vsub.f32 v4, v1  }
0x18: {  	v7 =	vmax.f32 v1, v5;
	(erf) = vpow2.f32 v2;
	v2 =	vsub.f32 v6, v1  }
0x19: {  	v8 =	vld [tilespmem:s5+$0x1800];
	v5 =	vsub.f32 v5, v7;
	v4 =	vmul.f32 $1.442695020e+00, v4  }
0x1a: {  	v47 =	vld [tilespmem:s5+$0x480];
	(erf) = vpow2.f32 v0;
	v2 =	vmul.f32 $1.442695020e+00, v2  }
0x1b: {  	v0 =	vld [tilespmem:s5+$0x80];
	v5 =	vmul.f32 $1.442695020e+00, v5  }
0x1c: {  	v9 =	vmax.f32 v7, v3;
	(erf) = vpow2.f32 v4  }
0x1d: {  	v1 =	vsub.f32 v1, v7;
	v3 =	vsub.f32 v3, v9;
	(erf) = vpow2.f32 v5  }
0x1e: {  	(erf) = vpow2.f32 v2;
	v2 =	vpop (erf)  }
0x1f: {  	v48 =	vld [tilespmem:s5+$0x880];
	v1 =	vmul.f32 $1.442695020e+00, v1;
	v3 =	vmul.f32 $1.442695020e+00, v3;
	v49 =	vpop (erf)  }
0x20: {  	v10 =	vmax.f32 v9, v8;
	v0 =	vmul.f32 v2, v0;
	v6 =	vmul.f32 v49, v47  }
0x21: {  	v7 =	vsub.f32 v7, v9;
	v8 =	vsub.f32 v8, v10;
	(erf) = vpow2.f32 v3  }
0x22: {  	v3 =	vld [tilespmem:s5+$0x1C00];
	v11 =	vpop (erf);
	(erf) = vpow2.f32 v1;
	v0 =	vadd.f32 v6, v0  }
0x23: {  	v51 =	vld [tilespmem:s5+$0xC80];
	v50 =	vmul.f32 $1.442695020e+00, v8;
	v1 =	vmul.f32 $1.442695020e+00, v7;
	v52 =	vpop (erf)  }
0x24: {  	v4 =	vmul.f32 v11, v48;
	v0 =	vmul.f32 v52, v0  }
0x25: {  	v9 =	vsub.f32 v9, v10;
	(erf) = vpow2.f32 v50;
	v53 =	vpop (erf)  }
0x26: {  	v13 =	vld [tilespmem:s5+$0x1080];
	(erf) = vpow2.f32 v1;
	v12 =	vpop (erf);
	v0 =	vadd.f32 v4, v0  }
0x27: {  	v54 =	vmul.f32 $1.442695020e+00, v9;
	v1 =	vmax.f32 v10, v3;
	v55 =	vpop (erf)  }
0x28: {  	v7 =	vmul.f32 v53, v51;
	v3 =	vsub.f32 v3, v1;
	v0 =	vmul.f32 v55, v0  }
0x29: {  	v10 =	vsub.f32 v10, v1  }
0x2a: {  	v3 =	vmul.f32 $1.442695020e+00, v3;
	v14 =	vpop (erf);
	(erf) = vpow2.f32 v54;
	v0 =	vadd.f32 v7, v0  }
0x2b: {  	v56 =	vld [tilespmem:s5+$0x1480];
	v13 =	vmul.f32 v12, v13;
	v57 =	vpop (erf)  }
0x2c: {  	v10 =	vmul.f32 $1.442695020e+00, v10;
	v0 =	vmul.f32 v57, v0  }
0x2d: {  	v58 =	vld [tilespmem:s5+$0x1880];
	(erf) = vpow2.f32 v3  }
0x2e: {  	v3 =	vpop (erf);
	(erf) = vpow2.f32 v10;
	v0 =	vadd.f32 v13, v0  }
0x2f: {  	v59 =	vpop (erf)  }
0x30: {  	v4 =	vmul.f32 v14, v56;
	v0 =	vmul.f32 v59, v0;
	_ =	sdelay $0x1  }
0x31: {  	v10 =	vmul.f32 v3, v58;
	v0 =	vadd.f32 v4, v0  }
0x32: {  	v15 =	vld [tilespmem:s5+$0x1C80];
	v60 =	vpop (erf)  }
0x33: {  	v0 =	vmul.f32 v60, v0;
	_ =	sdelay $0x1  }
0x34: {  	v0 =	vadd.f32 v10, v0;
	v10 =	vpop (erf)  }
0x35: {  	v16 =	vpop (erf)  }
0x36: {  	v15 =	vmul.f32 v10, v15;
	v0 =	vmul.f32 v16, v0;
	_ =	sdelay $0x1  }
0x37: {  	v15 =	vadd.f32 v15, v0;
	_ =	sdelay $0x1  }
0x38: {  	v0 =	vand.u32 $0x7FFFFF, v15  }
0x39: {  	v0 =	vor.u32 $0x3F800000, v0  }
0x3a: {  	v17 =	vmul.f32 $5.000000000e-01, v0  }
0x3b: {  	vm0 =	vgt.f32 v0, $1.414213540e+00  }
0x3c: {  	v18 =	vld [tilespmem:s5+$0x1E80];
	v0 =	vsel vm0, v17, v0  }
0x3d: {  	v61 =	vld [tilespmem:s5+$0x1280];
	v19 =	vadd.f32 $1.000000000e+00, v0  }
0x3e: {  	v20 =	vld [tilespmem:s5+$0x100];
	(erf) = vrcp.f32 v15  }
0x3f: {  	v21 =	vld [tilespmem:s5+$0x500];
	(erf) = vrcp.f32 v19  }
0x40: {  	v62 =	vld [tilespmem:s5+$0x1980]  }
0x41: {  	v22 =	vld [tilespmem:s5+$0x180]  }
0x42: {  	v23 =	vld [tilespmem:s5+$0x580]  }
0x43: {  	v24 =	vld [tilespmem:s5+$0x900]  }
0x44: {  	v63 =	vld [tilespmem:s5+$0xA80];
	v2 =	vmul.f32 v2, v20;
	v5 =	vmul.f32 v49, v21  }
0x45: {  	v30 =	vld [tilespmem:s5+$0x980]  }
0x46: {  	v25 =	vld [tilespmem:s5+$0x280];
	v2 =	vadd.f32 v5, v2  }
0x47: {  	v31 =	vld [tilespmem:s5+$0xD00];
	v0 =	vadd.f32 $-1.000000000e+00, v0;
	v26 =	vpop (erf)  }
0x48: {  	v32 =	vld [tilespmem:s5+$0xD80];
	v11 =	vmul.f32 v11, v24;
	v2 =	vmul.f32 v52, v2;
	v33 =	vpop (erf)  }
0x49: {  	v27 =	vld [tilespmem:s5+$0x1180];
	vm1 =	vgt.f32 v23, v22;
	v24 =	vmul.f32 v33, v0  }
0x4a: {  	v35 =	vld [tilespmem:s5+$0x1100];
	v34 =	vsel vm1, v23, v22;
	v0 =	vadd.f32 v11, v2  }
0x4b: {  	v37 =	vld [tilespmem:s5+$0x680];
	vm2 =	vgt.f32 v30, v34;
	v36 =	vmul.f32 v24, v24  }
0x4c: {  	v39 =	vld [tilespmem:s5+$0x1580];
	v38 =	vsel vm2, v30, v34;
	v5 =	vmul.f32 v53, v31;
	v0 =	vmul.f32 v55, v0  }
0x4d: {  	v41 =	vld [tilespmem:s5+$0x1500];
	vm3 =	vgt.f32 v32, v38;
	v40 =	vmul.f32 $1.428571490e-01, v36  }
0x4e: {  	v42 =	vld [tilespmem:s5+$0x1680];
	v8 =	vsel vm3, v32, v38;
	v0 =	vadd.f32 v5, v0  }
0x4f: {  	v44 =	vld [tilespmem:s5+$0x1D80];
	vm4 =	vgt.f32 v27, v8;
	v21 =	vadd.f32 $2.000000030e-01, v40  }
0x50: {  	v45 =	vld [tilespmem:s5+$0x1A80];
	v8 =	vsel vm4, v27, v8;
	v43 =	vmul.f32 v12, v35;
	v0 =	vmul.f32 v57, v0  }
0x51: {  	v46 =	vld [tilespmem:s5+$0x1900];
	vm5 =	vgt.f32 v39, v8;
	v21 =	vmul.f32 v21, v36  }
0x52: {  	v47 =	vld [tilespmem:s5+$0x1D00];
	v8 =	vsel vm5, v39, v8;
	v0 =	vadd.f32 v43, v0  }
0x53: {  	v49 =	vld [tilespmem:s5+$0x600];
	v6 =	vsel vm1, v37, v25;
	vm6 =	vgt.f32 v62, v8;
	v48 =	vadd.f32 $3.333333430e-01, v21  }
0x54: {  	v50 =	vsel vm6, v62, v8;
	v2 =	vld [tilespmem:s5+$0xE80];
	v5 =	vmul.f32 v14, v41;
	v13 =	vmul.f32 v59, v0  }
0x55: {  	v6 =	vsel vm2, v63, v6;
	v51 =	vld [tilespmem:s5+$0x200];
	vm15 =	vgt.f32 v44, v50;
	v52 =	vmul.f32 v48, v36  }
0x56: {  	v53 =	vld [tilespmem:s5+$0xA00];
	v3 =	vmul.f32 v3, v46;
	v0 =	vimm.s32 $0xFFFFFF81;
	v5 =	vadd.f32 v5, v13  }
0x57: {  	v54 =	vld [tilespmem:s5+$0xE00];
	v15 =	vshra.s32 v15, $0x17;
	v55 =	vsel vm0, $0xFFFFFF82, v0;
	v19 =	vadd.f32 $1.000000000e+00, v52  }
0x58: {  	v56 =	vld [tilespmem:s5+$0x1200];
	v10 =	vmul.f32 v10, v47;
	v57 =	vadd.s32 v15, v55;
	v4 =	vmul.f32 v60, v5  }
0x59: {  	v58 =	vld [tilespmem:s5+$0x1600];
	v2 =	vsel vm3, v2, v6;
	v7 =	vcvt.s32.f32 v57;
	v59 =	vmul.f32 v19, v24  }
0x5a: {  	v2 =	vsel vm4, v61, v2;
	v61 =	vsel vm1, v49, v51;
	v60 =	vld [tilespmem:s5+$0x1A00];
	v3 =	vadd.f32 v3, v4  }
0x5b: {  	v62 =	vld [tilespmem:s5+$0x1E00];
	v7 =	vmul.f32 $6.931471820e-01, v7;
	v4 =	vsel vm2, v53, v61;
	v12 =	vadd.f32 v59, v59  }
0x5c: {  	v2 =	vsel vm5, v42, v2;
	v4 =	vsel vm3, v54, v4;
	v3 =	vmul.f32 v16, v3  }
0x5d: {  	v2 =	vsel vm6, v45, v2;
	v4 =	vsel vm4, v56, v4;
	v63 =	vadd.f32 v12, v7  }
0x5e: {  	v2 =	vsel vm15, v18, v2;
	v4 =	vsel vm5, v58, v4;
	v3 =	vadd.f32 v10, v3  }
0x5f: {  	v2 =	vtrunc.f32 v2;
	v4 =	vsel vm6, v60, v4;
	v1 =	vadd.f32 v63, v1  }
0x60: {  	v2 =	vcvt.f32.s32 v2;
	v4 =	vsel vm15, v62, v4;
	v3 =	vmul.f32 v26, v3  }
0x61: {  	v4 =	vsub.f32 v1, v4  }
0x62: {  	s9 =	ssub.s32 $0x2, s9;
	[tilespmem:$0x2000] =	vst v2;
	v1 =	vsub.f32 v1, v3  }
0x63: {  	s11 =	sshll.u32 s7, $0x1;
	s12 =	sshrl.u32 s9, $0x1;
	[tilespmem:$0x2080] =	vst v4  }
0x64: {  	s7 =	simm.s32 $0x2000;
	s6 =	sadd.s32 s6, s11;
	s12 =	ssub.s32 s9, s12;
	[tilespmem:$0x2100] =	vst v1  }
0x65: {  	[hbm4b:s6+s2] =	stream.linear.scatter [tilespmem:s7], [sflag:$0x1], $0x10, $0x38;
	[tilespmem:$0x2180] =	vst v63  }
0x66: {  	s12 =	smax.u32 s12, $0x1;
	_ =	swait.ge [sflag:s3], $0x10  }
0x67: {  	s8 =	sadd.s32 s8, s11;
	p0 =	sne.s32 s12, $0x1;
	[sflag:s3] =	ssyncset.done $0x0  }
.Ltmp1:
0x68: {  	s9 =	simm.s32 $0x2080;
	[sflag:s3] =	ssyncadd.s32 $0xFFFFFFF0;
	(pc) =	sbr.rel @!p0 .LBB2_3-.Ltmp1, $4  }
0x69: {  	[hbm4b:s8+s2] =	stream.linear.scatter [tilespmem:s9], [sflag:$0x1], $0x10, $0x38;
	[tilespmem:$0x2180] =	vst v63  }
0x6a: {  	_ =	swait.ge [sflag:s3], $0x10  }
0x6b: {  	s10 =	sadd.s32 s10, s11;
	[sflag:s3] =	ssyncset.done $0x0  }
0x6c: {  	s11 =	simm.s32 $0x2100;
	s12 =	sadd.s32 $0xFFFFFFFF, s12;
	[sflag:s3] =	ssyncadd.s32 $0xFFFFFFF0  }
.LBB2_2:
0x6d: {  	[hbm4b:s10+s2] =	stream.linear.scatter [tilespmem:s11], [sflag:$0x1], $0x10, $0x38;
	[tilespmem:$0x2180] =	vst v63  }
0x6e: {  	p0 =	sne.s32 s12, $0x1;
	s12 =	sadd.s32 $0xFFFFFFFF, s12;
	_ =	swait.ge [sflag:s3], $0x10  }
0x6f: {  	[sflag:s3] =	ssyncset.done $0x0  }
0x70: {  	[sflag:s3] =	ssyncadd.s32 $0xFFFFFFF0  }
0x71: {  	[tilespmem:s2], [sflag:$0x1] =	stream.linear.gather [hbm4b:s4+s2], $0x2000, $0x38;
	[tilespmem:$0x2180] =	vst v63  }
0x72: {  	_ =	swait.ge [sflag:s3], $0x2000  }
0x73: {  	[sflag:s3] =	ssyncset.done $0x0  }
0x74: {  	[sflag:s3] =	ssyncadd.s32 $0xFFFFE000  }
0x75: {  	v1 =	vld [tilespmem:s5+$0x0]  }
0x76: {  	v2 =	vld [tilespmem:s5+$0x400]  }
0x77: {  	v3 =	vld [tilespmem:s5+$0x800]  }
0x78: {  	v4 =	vld [tilespmem:s5+$0xC00];
	_ =	sdelay $0x2  }
0x79: {  	v5 =	vmax.f32 v1, v2;
	v6 =	vld [tilespmem:s5+$0x1000]  }
0x7a: {  	v7 =	vsub.f32 v1, v5;
	v2 =	vsub.f32 v2, v5;
	v8 =	vmax.f32 v5, v3;
	v1 =	vld [tilespmem:s5+$0x1E00]  }
0x7b: {  	v5 =	vsub.f32 v5, v8;
	v9 =	vsub.f32 v3, v8;
	v10 =	vmax.f32 v8, v4;
	v11 =	vld [tilespmem:s5+$0x1400]  }
0x7c: {  	v7 =	vmul.f32 $1.442695020e+00, v7;
	v2 =	vmul.f32 $1.442695020e+00, v2;
	v8 =	vsub.f32 v8, v10;
	v3 =	vld [tilespmem:s5+$0x1E80]  }
0x7d: {  	v12 =	vmul.f32 $1.442695020e+00, v5;
	v9 =	vmul.f32 $1.442695020e+00, v9;
	v5 =	vsub.f32 v4, v10;
	v4 =	vld [tilespmem:s5+$0x1280]  }
0x7e: {  	v8 =	vmul.f32 $1.442695020e+00, v8;
	v13 =	vmax.f32 v10, v6;
	v14 =	vld [tilespmem:s5+$0x1800];
	(erf) = vpow2.f32 v7  }
0x7f: {  	v7 =	vmul.f32 $1.442695020e+00, v5;
	v10 =	vsub.f32 v10, v13;
	v5 =	vld [tilespmem:s5+$0x1980];
	(erf) = vpow2.f32 v2  }
0x80: {  	v2 =	vsub.f32 v6, v13;
	v6 =	vmax.f32 v13, v11;
	v15 =	vld [tilespmem:s5+$0x1C00];
	(erf) = vpow2.f32 v9  }
0x81: {  	v9 =	vld [tilespmem:s5+$0x180];
	v10 =	vmul.f32 $1.442695020e+00, v10;
	v13 =	vsub.f32 v13, v6;
	(erf) = vpow2.f32 v12  }
0x82: {  	v2 =	vmul.f32 $1.442695020e+00, v2;
	v11 =	vsub.f32 v11, v6;
	v12 =	vld [tilespmem:s5+$0x100];
	(erf) = vpow2.f32 v7  }
0x83: {  	v7 =	vld [tilespmem:s5+$0x80];
	v13 =	vmul.f32 $1.442695020e+00, v13;
	v16 =	vmax.f32 v6, v14  }
0x84: {  	v11 =	vmul.f32 $1.442695020e+00, v11;
	v17 =	vld [tilespmem:s5+$0x480];
	v6 =	vsub.f32 v6, v16;
	(erf) = vpow2.f32 v2  }
0x85: {  	v14 =	vsub.f32 v14, v16;
	v18 =	vld [tilespmem:s5+$0x500];
	v2 =	vmax.f32 v16, v15;
	(erf) = vpow2.f32 v8  }
0x86: {  	v8 =	vld [tilespmem:s5+$0x880];
	v6 =	vmul.f32 $1.442695020e+00, v6;
	v16 =	vsub.f32 v16, v2;
	(erf) = vpow2.f32 v11  }
0x87: {  	v14 =	vmul.f32 $1.442695020e+00, v14;
	v15 =	vsub.f32 v15, v2;
	v11 =	vld [tilespmem:s5+$0x580];
	v19 =	vpop (erf)  }
0x88: {  	v7 =	vmul.f32 v19, v7;
	v12 =	vmul.f32 v19, v12;
	v19 =	vld [tilespmem:s5+$0xA80];
	v20 =	vpop (erf)  }
0x89: {  	v17 =	vmul.f32 v20, v17;
	v21 =	vld [tilespmem:s5+$0x900];
	v22 =	vpop (erf);
	(erf) = vpow2.f32 v10  }
0x8a: {  	v15 =	vmul.f32 $1.442695020e+00, v15;
	v10 =	vld [tilespmem:s5+$0xC80];
	v23 =	vpop (erf);
	(erf) = vpow2.f32 v14  }
0x8b: {  	v14 =	vmul.f32 v20, v18;
	v7 =	vadd.f32 v17, v7;
	v17 =	vld [tilespmem:s5+$0x980];
	v8 =	vmul.f32 v22, v8;
	v18 =	vpop (erf)  }
0x8c: {  	v20 =	vld [tilespmem:s5+$0x280];
	vm0 =	vgt.f32 v11, v9  }
0x8d: {  	v12 =	vadd.f32 v14, v12;
	v7 =	vmul.f32 v23, v7;
	v14 =	vld [tilespmem:s5+$0xD00];
	v24 =	vpop (erf);
	(erf) = vpow2.f32 v13  }
0x8e: {  	v9 =	vsel vm0, v11, v9;
	v11 =	vmul.f32 v22, v21;
	v13 =	vld [tilespmem:s5+$0x1080];
	v21 =	vpop (erf)  }
0x8f: {  	v7 =	vadd.f32 v8, v7;
	v8 =	vmul.f32 v23, v12;
	v12 =	vld [tilespmem:s5+$0xD80];
	v10 =	vmul.f32 v18, v10;
	v22 =	vpop (erf)  }
0x90: {  	vm2 =	vgt.f32 v17, v9;
	v23 =	vld [tilespmem:s5+$0x1180]  }
0x91: {  	v8 =	vadd.f32 v11, v8;
	v11 =	vld [tilespmem:s5+$0xE80];
	v7 =	vmul.f32 v21, v7;
	(erf) = vpow2.f32 v6  }
0x92: {  	v6 =	vsel vm2, v17, v9;
	v9 =	vmul.f32 v18, v14;
	v14 =	vld [tilespmem:s5+$0x1480];
	v17 =	vpop (erf)  }
0x93: {  	v7 =	vadd.f32 v10, v7;
	v8 =	vmul.f32 v21, v8;
	v10 =	vld [tilespmem:s5+$0x1100];
	v13 =	vmul.f32 v24, v13;
	v18 =	vpop (erf)  }
0x94: {  	v21 =	vld [tilespmem:s5+$0x680];
	vm5 =	vgt.f32 v12, v6  }
0x95: {  	v16 =	vmul.f32 $1.442695020e+00, v16;
	v8 =	vadd.f32 v9, v8;
	v7 =	vmul.f32 v17, v7;
	v9 =	vld [tilespmem:s5+$0x1580]  }
0x96: {  	v6 =	vsel vm5, v12, v6;
	v12 =	vld [tilespmem:s5+$0x1880];
	v25 =	vpop (erf);
	(erf) = vpow2.f32 v15  }
0x97: {  	v7 =	vadd.f32 v13, v7;
	v13 =	vld [tilespmem:s5+$0x1500];
	v14 =	vmul.f32 v22, v14;
	(erf) = vpow2.f32 v16  }
0x98: {  	vm6 =	vgt.f32 v23, v6;
	v8 =	vmul.f32 v17, v8;
	v10 =	vmul.f32 v24, v10;
	v15 =	vld [tilespmem:s5+$0x1680]  }
0x99: {  	v6 =	vsel vm6, v23, v6;
	v16 =	vsel vm0, v21, v20;
	v7 =	vmul.f32 v25, v7;
	v17 =	vld [tilespmem:s5+$0x1D80]  }
0x9a: {  	v16 =	vsel vm2, v19, v16;
	v8 =	vadd.f32 v10, v8;
	vm1 =	vgt.f32 v9, v6;
	v10 =	vld [tilespmem:s5+$0x1A80];
	v19 =	vpop (erf)  }
0x9b: {  	v7 =	vadd.f32 v14, v7;
	v6 =	vsel vm1, v9, v6;
	v9 =	vld [tilespmem:s5+$0x1900];
	v12 =	vmul.f32 v18, v12  }
0x9c: {  	v8 =	vmul.f32 v25, v8;
	v13 =	vmul.f32 v22, v13;
	vm3 =	vgt.f32 v5, v6;
	v14 =	vld [tilespmem:s5+$0x1C80]  }
0x9d: {  	v20 =	vsel vm5, v11, v16;
	v7 =	vmul.f32 v19, v7;
	v5 =	vsel vm3, v5, v6;
	v6 =	vld [tilespmem:s5+$0x1D00]  }
0x9e: {  	v4 =	vsel vm6, v4, v20;
	v16 =	vld [tilespmem:s5+$0xE00];
	v8 =	vadd.f32 v13, v8;
	vm4 =	vgt.f32 v17, v5  }
0x9f: {  	v4 =	vsel vm1, v15, v4;
	v5 =	vld [tilespmem:s5+$0x1A00];
	v7 =	vadd.f32 v12, v7;
	v11 =	vpop (erf)  }
0xa0: {  	v4 =	vsel vm3, v10, v4;
	v12 =	vld [tilespmem:s5+$0x1600];
	v8 =	vmul.f32 v19, v8;
	v9 =	vmul.f32 v18, v9;
	v10 =	vpop (erf)  }
0xa1: {  	v3 =	vsel vm4, v3, v4;
	v13 =	vld [tilespmem:s5+$0x1200];
	v7 =	vmul.f32 v10, v7;
	v14 =	vmul.f32 v11, v14  }
0xa2: {  	v3 =	vtrunc.f32 v3;
	v4 =	vld [tilespmem:s5+$0xA00];
	v8 =	vadd.f32 v9, v8  }
0xa3: {  	v3 =	vcvt.f32.s32 v3;
	v9 =	vld [tilespmem:s5+$0x600];
	v7 =	vadd.f32 v14, v7  }
0xa4: {  	v14 =	vld [tilespmem:s5+$0x200];
	v8 =	vmul.f32 v10, v8  }
0xa5: {  	v10 =	vand.u32 $0x7FFFFF, v7;
	[tilespmem:$0x2000] =	vst v3;
	(erf) = vrcp.f32 v7  }
0xa6: {  	v3 =	vor.u32 $0x3F800000, v10  }
0xa7: {  	v10 =	vmul.f32 $5.000000000e-01, v3  }
0xa8: {  	v7 =	vshra.s32 v7, $0x17;
	vm7 =	vgt.f32 v3, $1.414213540e+00  }
0xa9: {  	v9 =	vsel vm0, v9, v14;
	v3 =	vsel vm7, v10, v3;
	v10 =	vsel vm7, $0xFFFFFF82, v0  }
0xaa: {  	v4 =	vsel vm2, v4, v9;
	v7 =	vadd.s32 v7, v10;
	v9 =	vadd.f32 $1.000000000e+00, v3  }
0xab: {  	v4 =	vsel vm5, v16, v4;
	v7 =	vcvt.s32.f32 v7  }
0xac: {  	v4 =	vsel vm6, v13, v4;
	(erf) = vrcp.f32 v9;
	_ =	sdelay $0x1  }
0xad: {  	v9 =	vpop (erf);
	_ =	sdelay $0x5  }
0xae: {  	v3 =	vadd.f32 $-1.000000000e+00, v3  }
0xaf: {  	v10 =	vpop (erf)  }
0xb0: {  	v3 =	vmul.f32 v10, v3;
	_ =	sdelay $0x1  }
0xb1: {  	v10 =	vmul.f32 v3, v3;
	_ =	sdelay $0x1  }
0xb2: {  	v13 =	vmul.f32 $1.428571490e-01, v10;
	_ =	sdelay $0x1  }
0xb3: {  	v13 =	vadd.f32 $2.000000030e-01, v13;
	_ =	sdelay $0x1  }
0xb4: {  	v13 =	vmul.f32 v13, v10;
	_ =	sdelay $0x1  }
0xb5: {  	v13 =	vadd.f32 $3.333333430e-01, v13;
	_ =	sdelay $0x1  }
0xb6: {  	v10 =	vmul.f32 v13, v10;
	_ =	sdelay $0x1  }
0xb7: {  	v10 =	vadd.f32 $1.000000000e+00, v10;
	_ =	sdelay $0x1  }
0xb8: {  	v3 =	vmul.f32 v10, v3;
	_ =	sdelay $0x1  }
0xb9: {  	v6 =	vmul.f32 v11, v6;
	v7 =	vmul.f32 $6.931471820e-01, v7;
	v3 =	vadd.f32 v3, v3;
	_ =	sdelay $0x1  }
0xba: {  	v6 =	vadd.f32 v6, v8;
	v3 =	vadd.f32 v3, v7  }
0xbb: {  	v4 =	vsel vm1, v12, v4  }
0xbc: {  	v4 =	vsel vm3, v5, v4;
	v2 =	vadd.f32 v3, v2;
	v3 =	vmul.f32 v9, v6  }
0xbd: {  	v1 =	vsel vm4, v1, v4  }
0xbe: {  	v1 =	vsub.f32 v2, v1;
	v2 =	vsub.f32 v2, v3;
	_ =	sdelay $0x1  }
0xbf: {  	[tilespmem:$0x2080] =	vst v1  }
0xc0: {  	[tilespmem:$0x2100] =	vst v2  }
0xc1: {  	[hbm4b:s6+s2] =	stream.linear.scatter [tilespmem:s7], [sflag:$0x1], $0x10, $0x38;
	[tilespmem:$0x2180] =	vst v63  }
0xc2: {  	_ =	swait.ge [sflag:s3], $0x10  }
0xc3: {  	[sflag:s3] =	ssyncset.done $0x0  }
.Ltmp2:
0xc4: {  	[sflag:s3] =	ssyncadd.s32 $0xFFFFFFF0;
	(pc) =	sbr.rel @p0 .LBB2_2-.Ltmp2, $4  }
0xc5: {  	[hbm4b:s8+s2] =	stream.linear.scatter [tilespmem:s9], [sflag:$0x1], $0x10, $0x38;
	[tilespmem:$0x2180] =	vst v63  }
0xc6: {  	_ =	swait.ge [sflag:s3], $0x10  }
0xc7: {  	[sflag:s3] =	ssyncset.done $0x0  }
0xc8: {  	[sflag:s3] =	ssyncadd.s32 $0xFFFFFFF0  }
.LBB2_3:
0xc9: {  	[hbm4b:s10+s2] =	stream.linear.scatter [tilespmem:s11], [sflag:$0x1], $0x10, $0x38;
	[tilespmem:$0x2180] =	vst v63  }
0xca: {  	_ =	swait.ge [sflag:s3], $0x10  }
0xcb: {  	[sflag:s3] =	ssyncset.done $0x0  }
0xcc: {  	[sflag:s3] =	ssyncadd.s32 $0xFFFFFFF0  }
.LBB2_4:
0xcd: {  	_ =	sfence.sel $0x180000  }
0xce: {  	[bflag:$0x0] =	sbarrier.arrive $0xFFFF  }
0xcf: {  	p0 =	sne.s32 s1, $0x0;
	_ =	strace $0x90000047  }
0xd0: {  	s0 =	sadd.s32 @!p0 $0x100000, s0;
	[bflag:$0x2] =	sbarrier.arrive $0xFFFF  }
0xd1: {  	[sflag:s0] =	ssyncadd.tile.s32 @!p0 $0x1;
	_ =	shalt  }
.Lfunc_end2:
_tile_overlayer_lowered:
.L_overlay_start_2:
0xd2: {  	(tag) =	ssettag $0x2  }
0xd3: {  	s0 =	rddreg [dreg:$0x0];
	s2 =	stileid.u32  }
0xd4: {  	s1 =	rddreg [dreg:$0x1];
	p0 =	sne.s32 s2, $0x0  }
0xd5: {  	s3 =	rddreg [dreg:$0x2];
	[bflag:$0x3] =	sbarrier.arrive $0xFFFF;
	s2 =	simm.s32 @!p0 $0x1C01  }
0xd6: {  	[timem:s3], [sflag:s2] =	dma.local @!p0 [hbm:s0], s1  }
0xd7: {  	s0 =	simm.s32 @!p0 $0x1  }
0xd8: {  	_ =	swait.ge @!p0 [sflag:s0], s1  }
0xd9: {  	s1 =	ssub.s32 @!p0 $0x0, s1;
	[sflag:s0] =	ssyncset.done @!p0 $0x0  }
0xda: {  	[sflag:s0] =	ssyncadd.s32 @!p0 s1  }
0xdb: {  	[bflag:$0x3] =	sbarrier.arrive $0xFFFF  }
0xdc: {  	_ =	shalt  }

</sc_bundles>
